<compile_context>
chip_gen: v7x
topology: tpu7x:2x2x1
jax: 0.10.2.dev20260603
libtpu: 0.0.44.dev20260713+nightly
codegen_flags: <defaults>
</compile_context>

<pallas_src>
import functools

import jax
import jax.numpy as jnp
from jax import lax
from jax.experimental import pallas as pl
from jax.experimental.pallas import tpu as pltpu
from jax.experimental.pallas import tpu_sc as plsc

D = 32
BW = 512
HB = 256


@functools.lru_cache(maxsize=None)
def _build(batch: int, hist: int):
  info = plsc.get_sparse_core_info()
  nw = info.num_cores * info.num_subcores
  assert batch // nw == BW
  n_units = hist * 2
  mesh = plsc.VectorSubcoreMesh(core_axis_name="c", subcore_axis_name="s")

  @functools.partial(
      pl.kernel,
      mesh=mesh,
      compiler_params=pltpu.CompilerParams(needs_layout_passes=False),
      out_type=jax.ShapeDtypeStruct((hist, D, batch), jnp.float32),
      scratch_types=[
          pltpu.VMEM((hist, BW), jnp.int32),
          pltpu.VMEM((HB,), jnp.int32),
          pltpu.VMEM((HB,), jnp.int32),
          pltpu.VMEM((HB,), jnp.int32),
          pltpu.VMEM((HB,), jnp.int32),
          pltpu.VMEM((HB, 128), jnp.float32),
          pltpu.VMEM((HB, 128), jnp.float32),
          pltpu.VMEM((D, HB), jnp.float32),
          pltpu.VMEM((D, HB), jnp.float32),
          pltpu.SemaphoreType.DMA,
          pltpu.SemaphoreType.DMA,
      ],
  )
  def gather_kernel(table_hbm, idxt_hbm, out_hbm, idx_v, sup0, sup1, mod0,
                    mod1, rows0, rows1, obuf0, obuf1, sem_g, sem_o):
    wid = lax.axis_index("s") * info.num_cores + lax.axis_index("c")
    b0 = wid * BW
    lane = lax.iota(jnp.int32, 16)
    sups = (sup0, sup1)
    mods = (mod0, mod1)
    rows = (rows0, rows1)
    obufs = (obuf0, obuf1)
    pltpu.sync_copy(idxt_hbm.at[:, pl.ds(b0, BW)], idx_v)

    def split(u, slot):
      h = u >> 1
      off = (u & 1) * HB

      def body(k, carry):
        v = idx_v[h, pl.ds(off + k * 16, 16)]
        sups[slot][pl.ds(k * 16, 16)] = v >> 2
        mods[slot][pl.ds(k * 16, 16)] = (v & 3) * 32
        return carry

      lax.fori_loop(0, HB // 16, body, 0, unroll=4)

    def start_gather(u, slot):
      return pltpu.async_copy(
          table_hbm.at[sups[slot]], rows[slot], sem_g
      )

    def extract(u, slot):
      @plsc.parallel_loop(0, HB // 16)
      def bg_body(bg):
        row_ids = bg * 16 + lane
        mod_slice = mods[slot][pl.ds(bg * 16, 16)]

        @plsc.parallel_loop(0, D, unroll=8)
        def d_body(d):
          obufs[slot][d, pl.ds(bg * 16, 16)] = plsc.load_gather(
              rows[slot], [row_ids, mod_slice + d]
          )

    def start_out(u, slot):
      h = u >> 1
      boff = b0 + (u & 1) * HB
      return pltpu.async_copy(
          obufs[slot], out_hbm.at[h, :, pl.ds(boff, HB)], sem_o
      )

    def wait_gather(slot):
      pltpu.make_async_copy(
          table_hbm.at[sups[slot]], rows[slot], sem_g
      ).wait()

    def wait_out(slot):
      pltpu.make_async_copy(
          obufs[slot], out_hbm.at[0, :, pl.ds(b0, HB)], sem_o
      ).wait()

    split(0, 0)
    start_gather(0, 0)
    split(1, 1)
    start_gather(1, 1)

    def pair_body(p, carry):
      for slot in (0, 1):
        u = 2 * p + slot
        wait_gather(slot)

        @pl.when(u >= 2)
        def _():
          wait_out(slot)

        extract(u, slot)
        start_out(u, slot)

        @pl.when(u + 2 < n_units)
        def _():
          split(u + 2, slot)
          start_gather(u + 2, slot)

      return carry

    lax.fori_loop(0, n_units // 2, pair_body, 0)
    wait_out(0)
    wait_out(1)

  return gather_kernel


def kernel(idx, table):
  b, h = idx.shape
  idx_t = idx.T.astype(jnp.int32)
  table2 = table.reshape(250000, 128)
  out3 = _build(b, h)(table2, idx_t)
  return out3.transpose(2, 0, 1)

# --- scband reference (transcript-rebuilt; emitter-appended) ---
"""Pipeline reference for scband-perturbation-embedding-17274358465195 (READ-ONLY COPY).

The authoritative reference and input builder live on the scoring server;
editing this copy changes nothing except your own understanding.
"""

import jax, jax.numpy as jnp
import numpy as np

VOCAB = 1000000
EMBED_DIM = 32
BATCH = 16384
HIST = 50

def setup_inputs(seed: int = 0) -> dict:
    key = jax.random.key(seed)
    k_idx, k_tab = jax.random.split(key)
    idx = jax.random.randint(k_idx, (BATCH, HIST), 0, VOCAB, dtype=jnp.int64)
    table = jax.random.normal(k_tab, (VOCAB, EMBED_DIM), dtype=jnp.float32)
    return {"idx": idx, "table": table}

def reference(idx, table):
    # nn.Embedding forward: gather rows of the table by idx
    return jnp.take(table, idx, axis=0)

if __name__ == "__main__":
    import jax
    _d = setup_inputs()
    print(jax.jit(kernel)(*tuple(_d.values())))

</pallas_src>

<mosaic_0001>
#map = affine_map<(d0, d1) -> (0, 0)>
#map1 = affine_map<(d0, d1) -> (0, 0, 0)>
module attributes {stable_mosaic.version = 14 : i64} {
  func.func @gather_kernel(%arg0: i32, %arg1: i32, %arg2: memref<250000x128xf32, #tpu.memory_space<hbm>>, %arg3: memref<50x16384xi32, #tpu.memory_space<hbm>>, %arg4: memref<50x32x16384xf32, #tpu.memory_space<hbm>>, %arg5: memref<50x512xi32, #tpu.memory_space<vmem>>, %arg6: memref<256xi32, #tpu.memory_space<vmem>>, %arg7: memref<256xi32, #tpu.memory_space<vmem>>, %arg8: memref<256xi32, #tpu.memory_space<vmem>>, %arg9: memref<256xi32, #tpu.memory_space<vmem>>, %arg10: memref<256x128xf32, #tpu.memory_space<vmem>>, %arg11: memref<256x128xf32, #tpu.memory_space<vmem>>, %arg12: memref<32x256xf32, #tpu.memory_space<vmem>>, %arg13: memref<32x256xf32, #tpu.memory_space<vmem>>, %arg14: memref<!tpu.dma_semaphore, #tpu.memory_space<semaphore_mem>>, %arg15: memref<!tpu.dma_semaphore, #tpu.memory_space<semaphore_mem>>) attributes {dimension_semantics = [#tpu.dimension_semantics<core_parallel>, #tpu.dimension_semantics<subcore_parallel>], iteration_bounds = array<i64: 2, 16>, scalar_prefetch = 0 : i64, scratch_operands = 11 : i64, tpu.core_type = #tpu.core_type<sc_vector_subcore>, window_params = [{transform_indices = #map}, {transform_indices = #map}, {transform_indices = #map1}]} {
    %mul3A = arith.constant 2 : i32
    %mul3A_0 = arith.muli %arg1, %mul3A : i32
    %add3A = arith.addi %mul3A_0, %arg0 : i32
    %mul3A_1 = arith.constant 512 : i32
    %mul3A_2 = arith.muli %add3A, %mul3A_1 : i32
    %iota3A = tpu.iota {dimensions = array<i32: 0>} : vector<16xi32>
    "tpu.region"() ({
      %run_scoped3A = tpu.sem_alloc : memref<!tpu.dma_semaphore, #tpu.memory_space<semaphore_mem>>
      %dma_start3A_38 = arith.constant 0 : i32
      %dma_start3A_39 = tpu.memref_slice %arg3[%dma_start3A_38, %mul3A_2] : memref<50x16384xi32, #tpu.memory_space<hbm>> -> memref<50x512xi32, #tpu.memory_space<hbm>>
      %dma_start3A_40 = arith.constant 0 : i32
      %dma_start3A_41 = tpu.memref_slice %arg3[%dma_start3A_40, %mul3A_2] : memref<50x16384xi32, #tpu.memory_space<hbm>> -> memref<50x512xi32, #tpu.memory_space<hbm>>
      tpu.enqueue_dma source(%dma_start3A_41 : memref<50x512xi32, #tpu.memory_space<hbm>>) target(%arg5 : memref<50x512xi32, #tpu.memory_space<vmem>>) target_semaphore(%run_scoped3A : memref<!tpu.dma_semaphore, #tpu.memory_space<semaphore_mem>>)
      %dma_wait3A_42 = arith.constant 0 : i32
      %dma_wait3A_43 = tpu.memref_slice %arg3[%dma_wait3A_42, %mul3A_2] : memref<50x16384xi32, #tpu.memory_space<hbm>> -> memref<50x512xi32, #tpu.memory_space<hbm>>
      %dma_wait3A_44 = arith.constant 0 : i32
      %dma_wait3A_45 = tpu.memref_slice %arg3[%dma_wait3A_44, %mul3A_2] : memref<50x16384xi32, #tpu.memory_space<hbm>> -> memref<50x512xi32, #tpu.memory_space<hbm>>
      tpu.wait_dma2 semaphore(%run_scoped3A : memref<!tpu.dma_semaphore, #tpu.memory_space<semaphore_mem>>) src(%dma_wait3A_45 : memref<50x512xi32, #tpu.memory_space<hbm>>) dst(%arg5 : memref<50x512xi32, #tpu.memory_space<vmem>>)
      tpu.yield
    }) : () -> ()
    %scan3A = arith.constant 0 : i32
    %scan3A_3 = arith.constant 0 : i32
    %scan3A_4 = arith.constant 16 : i32
    %scan3A_5 = arith.addi %scan3A_3, %scan3A_4 : i32
    %scan3A_6 = arith.constant 4 : i32
    scf.for %scan3A_38 = %scan3A_3 to %scan3A_5 step %scan3A_6  : i32 {
      %mul3A_39 = arith.constant 16 : i32
      %mul3A_40 = arith.muli %scan3A_38, %mul3A_39 : i32
      %add3A_41 = arith.constant 0 : i32
      %add3A_42 = arith.addi %add3A_41, %mul3A_40 : i32
      %get3A = arith.constant 0 : i32
      %get3A_43 = arith.index_cast %get3A : i32 to index
      %get3A_44 = arith.index_cast %add3A_42 : i32 to index
      %get3A_45 = tpu.vector_load %arg5[%get3A_43, %get3A_44] {strides = array<i32>} : memref<50x512xi32, #tpu.memory_space<vmem>>, vector<16xi32>,
      %shift_right_arithmetic3A = arith.constant 2 : i32
      %shift_right_arithmetic3A_46 = vector.broadcast %shift_right_arithmetic3A : i32 to vector<16xi32>
      %shift_right_arithmetic3A_47 = arith.shrsi %get3A_45, %shift_right_arithmetic3A_46 : vector<16xi32>
      %mul3A_48 = arith.constant 16 : i32
      %mul3A_49 = arith.muli %scan3A_38, %mul3A_48 : i32
      %swap3A = arith.index_cast %mul3A_49 : i32 to index
      %swap3A_50 = tpu.vector_load %arg6[%swap3A] {strides = array<i32>} : memref<256xi32, #tpu.memory_space<vmem>>, vector<16xi32>,
      tpu.vector_store %arg6[%swap3A], %shift_right_arithmetic3A_47 {strides = array<i32>} : memref<256xi32, #tpu.memory_space<vmem>>, vector<16xi32>,
      %and3A = arith.constant 3 : i32
      %and3A_51 = vector.broadcast %and3A : i32 to vector<16xi32>
      %and3A_52 = arith.andi %get3A_45, %and3A_51 : vector<16xi32>
      %mul3A_53 = arith.constant 32 : i32
      %mul3A_54 = vector.broadcast %mul3A_53 : i32 to vector<16xi32>
      %mul3A_55 = arith.muli %and3A_52, %mul3A_54 : vector<16xi32>
      %mul3A_56 = arith.constant 16 : i32
      %mul3A_57 = arith.muli %scan3A_38, %mul3A_56 : i32
      %swap3A_58 = arith.index_cast %mul3A_57 : i32 to index
      %swap3A_59 = tpu.vector_load %arg8[%swap3A_58] {strides = array<i32>} : memref<256xi32, #tpu.memory_space<vmem>>, vector<16xi32>,
      tpu.vector_store %arg8[%swap3A_58], %mul3A_55 {strides = array<i32>} : memref<256xi32, #tpu.memory_space<vmem>>, vector<16xi32>,
      %scan3A_60 = arith.constant 1 : i32
      %scan3A_61 = arith.addi %scan3A_38, %scan3A_60 : i32
      %mul3A_62 = arith.constant 16 : i32
      %mul3A_63 = arith.muli %scan3A_61, %mul3A_62 : i32
      %add3A_64 = arith.constant 0 : i32
      %add3A_65 = arith.addi %add3A_64, %mul3A_63 : i32
      %get3A_66 = arith.constant 0 : i32
      %get3A_67 = arith.index_cast %get3A_66 : i32 to index
      %get3A_68 = arith.index_cast %add3A_65 : i32 to index
      %get3A_69 = tpu.vector_load %arg5[%get3A_67, %get3A_68] {strides = array<i32>} : memref<50x512xi32, #tpu.memory_space<vmem>>, vector<16xi32>,
      %shift_right_arithmetic3A_70 = arith.constant 2 : i32
      %shift_right_arithmetic3A_71 = vector.broadcast %shift_right_arithmetic3A_70 : i32 to vector<16xi32>
      %shift_right_arithmetic3A_72 = arith.shrsi %get3A_69, %shift_right_arithmetic3A_71 : vector<16xi32>
      %mul3A_73 = arith.constant 16 : i32
      %mul3A_74 = arith.muli %scan3A_61, %mul3A_73 : i32
      %swap3A_75 = arith.index_cast %mul3A_74 : i32 to index
      %swap3A_76 = tpu.vector_load %arg6[%swap3A_75] {strides = array<i32>} : memref<256xi32, #tpu.memory_space<vmem>>, vector<16xi32>,
      tpu.vector_store %arg6[%swap3A_75], %shift_right_arithmetic3A_72 {strides = array<i32>} : memref<256xi32, #tpu.memory_space<vmem>>, vector<16xi32>,
      %and3A_77 = arith.constant 3 : i32
      %and3A_78 = vector.broadcast %and3A_77 : i32 to vector<16xi32>
      %and3A_79 = arith.andi %get3A_69, %and3A_78 : vector<16xi32>
      %mul3A_80 = arith.constant 32 : i32
      %mul3A_81 = vector.broadcast %mul3A_80 : i32 to vector<16xi32>
      %mul3A_82 = arith.muli %and3A_79, %mul3A_81 : vector<16xi32>
      %mul3A_83 = arith.constant 16 : i32
      %mul3A_84 = arith.muli %scan3A_61, %mul3A_83 : i32
      %swap3A_85 = arith.index_cast %mul3A_84 : i32 to index
      %swap3A_86 = tpu.vector_load %arg8[%swap3A_85] {strides = array<i32>} : memref<256xi32, #tpu.memory_space<vmem>>, vector<16xi32>,
      tpu.vector_store %arg8[%swap3A_85], %mul3A_82 {strides = array<i32>} : memref<256xi32, #tpu.memory_space<vmem>>, vector<16xi32>,
      %scan3A_87 = arith.constant 2 : i32
      %scan3A_88 = arith.addi %scan3A_38, %scan3A_87 : i32
      %mul3A_89 = arith.constant 16 : i32
      %mul3A_90 = arith.muli %scan3A_88, %mul3A_89 : i32
      %add3A_91 = arith.constant 0 : i32
      %add3A_92 = arith.addi %add3A_91, %mul3A_90 : i32
      %get3A_93 = arith.constant 0 : i32
      %get3A_94 = arith.index_cast %get3A_93 : i32 to index
      %get3A_95 = arith.index_cast %add3A_92 : i32 to index
      %get3A_96 = tpu.vector_load %arg5[%get3A_94, %get3A_95] {strides = array<i32>} : memref<50x512xi32, #tpu.memory_space<vmem>>, vector<16xi32>,
      %shift_right_arithmetic3A_97 = arith.constant 2 : i32
      %shift_right_arithmetic3A_98 = vector.broadcast %shift_right_arithmetic3A_97 : i32 to vector<16xi32>
      %shift_right_arithmetic3A_99 = arith.shrsi %get3A_96, %shift_right_arithmetic3A_98 : vector<16xi32>
      %mul3A_100 = arith.constant 16 : i32
      %mul3A_101 = arith.muli %scan3A_88, %mul3A_100 : i32
      %swap3A_102 = arith.index_cast %mul3A_101 : i32 to index
      %swap3A_103 = tpu.vector_load %arg6[%swap3A_102] {strides = array<i32>} : memref<256xi32, #tpu.memory_space<vmem>>, vector<16xi32>,
      tpu.vector_store %arg6[%swap3A_102], %shift_right_arithmetic3A_99 {strides = array<i32>} : memref<256xi32, #tpu.memory_space<vmem>>, vector<16xi32>,
      %and3A_104 = arith.constant 3 : i32
      %and3A_105 = vector.broadcast %and3A_104 : i32 to vector<16xi32>
      %and3A_106 = arith.andi %get3A_96, %and3A_105 : vector<16xi32>
      %mul3A_107 = arith.constant 32 : i32
      %mul3A_108 = vector.broadcast %mul3A_107 : i32 to vector<16xi32>
      %mul3A_109 = arith.muli %and3A_106, %mul3A_108 : vector<16xi32>
      %mul3A_110 = arith.constant 16 : i32
      %mul3A_111 = arith.muli %scan3A_88, %mul3A_110 : i32
      %swap3A_112 = arith.index_cast %mul3A_111 : i32 to index
      %swap3A_113 = tpu.vector_load %arg8[%swap3A_112] {strides = array<i32>} : memref<256xi32, #tpu.memory_space<vmem>>, vector<16xi32>,
      tpu.vector_store %arg8[%swap3A_112], %mul3A_109 {strides = array<i32>} : memref<256xi32, #tpu.memory_space<vmem>>, vector<16xi32>,
      %scan3A_114 = arith.constant 3 : i32
      %scan3A_115 = arith.addi %scan3A_38, %scan3A_114 : i32
      %mul3A_116 = arith.constant 16 : i32
      %mul3A_117 = arith.muli %scan3A_115, %mul3A_116 : i32
      %add3A_118 = arith.constant 0 : i32
      %add3A_119 = arith.addi %add3A_118, %mul3A_117 : i32
      %get3A_120 = arith.constant 0 : i32
      %get3A_121 = arith.index_cast %get3A_120 : i32 to index
      %get3A_122 = arith.index_cast %add3A_119 : i32 to index
      %get3A_123 = tpu.vector_load %arg5[%get3A_121, %get3A_122] {strides = array<i32>} : memref<50x512xi32, #tpu.memory_space<vmem>>, vector<16xi32>,
      %shift_right_arithmetic3A_124 = arith.constant 2 : i32
      %shift_right_arithmetic3A_125 = vector.broadcast %shift_right_arithmetic3A_124 : i32 to vector<16xi32>
      %shift_right_arithmetic3A_126 = arith.shrsi %get3A_123, %shift_right_arithmetic3A_125 : vector<16xi32>
      %mul3A_127 = arith.constant 16 : i32
      %mul3A_128 = arith.muli %scan3A_115, %mul3A_127 : i32
      %swap3A_129 = arith.index_cast %mul3A_128 : i32 to index
      %swap3A_130 = tpu.vector_load %arg6[%swap3A_129] {strides = array<i32>} : memref<256xi32, #tpu.memory_space<vmem>>, vector<16xi32>,
      tpu.vector_store %arg6[%swap3A_129], %shift_right_arithmetic3A_126 {strides = array<i32>} : memref<256xi32, #tpu.memory_space<vmem>>, vector<16xi32>,
      %and3A_131 = arith.constant 3 : i32
      %and3A_132 = vector.broadcast %and3A_131 : i32 to vector<16xi32>
      %and3A_133 = arith.andi %get3A_123, %and3A_132 : vector<16xi32>
      %mul3A_134 = arith.constant 32 : i32
      %mul3A_135 = vector.broadcast %mul3A_134 : i32 to vector<16xi32>
      %mul3A_136 = arith.muli %and3A_133, %mul3A_135 : vector<16xi32>
      %mul3A_137 = arith.constant 16 : i32
      %mul3A_138 = arith.muli %scan3A_115, %mul3A_137 : i32
      %swap3A_139 = arith.index_cast %mul3A_138 : i32 to index
      %swap3A_140 = tpu.vector_load %arg8[%swap3A_139] {strides = array<i32>} : memref<256xi32, #tpu.memory_space<vmem>>, vector<16xi32>,
      tpu.vector_store %arg8[%swap3A_139], %mul3A_136 {strides = array<i32>} : memref<256xi32, #tpu.memory_space<vmem>>, vector<16xi32>,
    }
    %scan3A_7 = arith.constant 16 : i32
    %dma_start3A = arith.constant 0 : i32
    %dma_start3A_8 = arith.constant 0 : i32
    %dma_start3A_9 = tpu.memref_slice %arg2[%dma_start3A, %dma_start3A_8] : memref<250000x128xf32, #tpu.memory_space<hbm>> -> memref<250000x128xf32, #tpu.memory_space<hbm>>
    tpu.enqueue_indirect_dma source(%dma_start3A_9 : memref<250000x128xf32, #tpu.memory_space<hbm>>) target(%arg10 : memref<256x128xf32, #tpu.memory_space<vmem>>) offsets(%arg6 : memref<256xi32, #tpu.memory_space<vmem>>) semaphore(%arg14 : memref<!tpu.dma_semaphore, #tpu.memory_space<semaphore_mem>>)
    %scan3A_10 = arith.constant 0 : i32
    %scan3A_11 = arith.constant 0 : i32
    %scan3A_12 = arith.constant 16 : i32
    %scan3A_13 = arith.addi %scan3A_11, %scan3A_12 : i32
    %scan3A_14 = arith.constant 4 : i32
    scf.for %scan3A_38 = %scan3A_11 to %scan3A_13 step %scan3A_14  : i32 {
      %mul3A_39 = arith.constant 16 : i32
      %mul3A_40 = arith.muli %scan3A_38, %mul3A_39 : i32
      %add3A_41 = arith.constant 256 : i32
      %add3A_42 = arith.addi %add3A_41, %mul3A_40 : i32
      %get3A = arith.constant 0 : i32
      %get3A_43 = arith.index_cast %get3A : i32 to index
      %get3A_44 = arith.index_cast %add3A_42 : i32 to index
      %get3A_45 = tpu.vector_load %arg5[%get3A_43, %get3A_44] {strides = array<i32>} : memref<50x512xi32, #tpu.memory_space<vmem>>, vector<16xi32>,
      %shift_right_arithmetic3A = arith.constant 2 : i32
      %shift_right_arithmetic3A_46 = vector.broadcast %shift_right_arithmetic3A : i32 to vector<16xi32>
      %shift_right_arithmetic3A_47 = arith.shrsi %get3A_45, %shift_right_arithmetic3A_46 : vector<16xi32>
      %mul3A_48 = arith.constant 16 : i32
      %mul3A_49 = arith.muli %scan3A_38, %mul3A_48 : i32
      %swap3A = arith.index_cast %mul3A_49 : i32 to index
      %swap3A_50 = tpu.vector_load %arg7[%swap3A] {strides = array<i32>} : memref<256xi32, #tpu.memory_space<vmem>>, vector<16xi32>,
      tpu.vector_store %arg7[%swap3A], %shift_right_arithmetic3A_47 {strides = array<i32>} : memref<256xi32, #tpu.memory_space<vmem>>, vector<16xi32>,
      %and3A = arith.constant 3 : i32
      %and3A_51 = vector.broadcast %and3A : i32 to vector<16xi32>
      %and3A_52 = arith.andi %get3A_45, %and3A_51 : vector<16xi32>
      %mul3A_53 = arith.constant 32 : i32
      %mul3A_54 = vector.broadcast %mul3A_53 : i32 to vector<16xi32>
      %mul3A_55 = arith.muli %and3A_52, %mul3A_54 : vector<16xi32>
      %mul3A_56 = arith.constant 16 : i32
      %mul3A_57 = arith.muli %scan3A_38, %mul3A_56 : i32
      %swap3A_58 = arith.index_cast %mul3A_57 : i32 to index
      %swap3A_59 = tpu.vector_load %arg9[%swap3A_58] {strides = array<i32>} : memref<256xi32, #tpu.memory_space<vmem>>, vector<16xi32>,
      tpu.vector_store %arg9[%swap3A_58], %mul3A_55 {strides = array<i32>} : memref<256xi32, #tpu.memory_space<vmem>>, vector<16xi32>,
      %scan3A_60 = arith.constant 1 : i32
      %scan3A_61 = arith.addi %scan3A_38, %scan3A_60 : i32
      %mul3A_62 = arith.constant 16 : i32
      %mul3A_63 = arith.muli %scan3A_61, %mul3A_62 : i32
      %add3A_64 = arith.constant 256 : i32
      %add3A_65 = arith.addi %add3A_64, %mul3A_63 : i32
      %get3A_66 = arith.constant 0 : i32
      %get3A_67 = arith.index_cast %get3A_66 : i32 to index
      %get3A_68 = arith.index_cast %add3A_65 : i32 to index
      %get3A_69 = tpu.vector_load %arg5[%get3A_67, %get3A_68] {strides = array<i32>} : memref<50x512xi32, #tpu.memory_space<vmem>>, vector<16xi32>,
      %shift_right_arithmetic3A_70 = arith.constant 2 : i32
      %shift_right_arithmetic3A_71 = vector.broadcast %shift_right_arithmetic3A_70 : i32 to vector<16xi32>
      %shift_right_arithmetic3A_72 = arith.shrsi %get3A_69, %shift_right_arithmetic3A_71 : vector<16xi32>
      %mul3A_73 = arith.constant 16 : i32
      %mul3A_74 = arith.muli %scan3A_61, %mul3A_73 : i32
      %swap3A_75 = arith.index_cast %mul3A_74 : i32 to index
      %swap3A_76 = tpu.vector_load %arg7[%swap3A_75] {strides = array<i32>} : memref<256xi32, #tpu.memory_space<vmem>>, vector<16xi32>,
      tpu.vector_store %arg7[%swap3A_75], %shift_right_arithmetic3A_72 {strides = array<i32>} : memref<256xi32, #tpu.memory_space<vmem>>, vector<16xi32>,
      %and3A_77 = arith.constant 3 : i32
      %and3A_78 = vector.broadcast %and3A_77 : i32 to vector<16xi32>
      %and3A_79 = arith.andi %get3A_69, %and3A_78 : vector<16xi32>
      %mul3A_80 = arith.constant 32 : i32
      %mul3A_81 = vector.broadcast %mul3A_80 : i32 to vector<16xi32>
      %mul3A_82 = arith.muli %and3A_79, %mul3A_81 : vector<16xi32>
      %mul3A_83 = arith.constant 16 : i32
      %mul3A_84 = arith.muli %scan3A_61, %mul3A_83 : i32
      %swap3A_85 = arith.index_cast %mul3A_84 : i32 to index
      %swap3A_86 = tpu.vector_load %arg9[%swap3A_85] {strides = array<i32>} : memref<256xi32, #tpu.memory_space<vmem>>, vector<16xi32>,
      tpu.vector_store %arg9[%swap3A_85], %mul3A_82 {strides = array<i32>} : memref<256xi32, #tpu.memory_space<vmem>>, vector<16xi32>,
      %scan3A_87 = arith.constant 2 : i32
      %scan3A_88 = arith.addi %scan3A_38, %scan3A_87 : i32
      %mul3A_89 = arith.constant 16 : i32
      %mul3A_90 = arith.muli %scan3A_88, %mul3A_89 : i32
      %add3A_91 = arith.constant 256 : i32
      %add3A_92 = arith.addi %add3A_91, %mul3A_90 : i32
      %get3A_93 = arith.constant 0 : i32
      %get3A_94 = arith.index_cast %get3A_93 : i32 to index
      %get3A_95 = arith.index_cast %add3A_92 : i32 to index
      %get3A_96 = tpu.vector_load %arg5[%get3A_94, %get3A_95] {strides = array<i32>} : memref<50x512xi32, #tpu.memory_space<vmem>>, vector<16xi32>,
      %shift_right_arithmetic3A_97 = arith.constant 2 : i32
      %shift_right_arithmetic3A_98 = vector.broadcast %shift_right_arithmetic3A_97 : i32 to vector<16xi32>
      %shift_right_arithmetic3A_99 = arith.shrsi %get3A_96, %shift_right_arithmetic3A_98 : vector<16xi32>
      %mul3A_100 = arith.constant 16 : i32
      %mul3A_101 = arith.muli %scan3A_88, %mul3A_100 : i32
      %swap3A_102 = arith.index_cast %mul3A_101 : i32 to index
      %swap3A_103 = tpu.vector_load %arg7[%swap3A_102] {strides = array<i32>} : memref<256xi32, #tpu.memory_space<vmem>>, vector<16xi32>,
      tpu.vector_store %arg7[%swap3A_102], %shift_right_arithmetic3A_99 {strides = array<i32>} : memref<256xi32, #tpu.memory_space<vmem>>, vector<16xi32>,
      %and3A_104 = arith.constant 3 : i32
      %and3A_105 = vector.broadcast %and3A_104 : i32 to vector<16xi32>
      %and3A_106 = arith.andi %get3A_96, %and3A_105 : vector<16xi32>
      %mul3A_107 = arith.constant 32 : i32
      %mul3A_108 = vector.broadcast %mul3A_107 : i32 to vector<16xi32>
      %mul3A_109 = arith.muli %and3A_106, %mul3A_108 : vector<16xi32>
      %mul3A_110 = arith.constant 16 : i32
      %mul3A_111 = arith.muli %scan3A_88, %mul3A_110 : i32
      %swap3A_112 = arith.index_cast %mul3A_111 : i32 to index
      %swap3A_113 = tpu.vector_load %arg9[%swap3A_112] {strides = array<i32>} : memref<256xi32, #tpu.memory_space<vmem>>, vector<16xi32>,
      tpu.vector_store %arg9[%swap3A_112], %mul3A_109 {strides = array<i32>} : memref<256xi32, #tpu.memory_space<vmem>>, vector<16xi32>,
      %scan3A_114 = arith.constant 3 : i32
      %scan3A_115 = arith.addi %scan3A_38, %scan3A_114 : i32
      %mul3A_116 = arith.constant 16 : i32
      %mul3A_117 = arith.muli %scan3A_115, %mul3A_116 : i32
      %add3A_118 = arith.constant 256 : i32
      %add3A_119 = arith.addi %add3A_118, %mul3A_117 : i32
      %get3A_120 = arith.constant 0 : i32
      %get3A_121 = arith.index_cast %get3A_120 : i32 to index
      %get3A_122 = arith.index_cast %add3A_119 : i32 to index
      %get3A_123 = tpu.vector_load %arg5[%get3A_121, %get3A_122] {strides = array<i32>} : memref<50x512xi32, #tpu.memory_space<vmem>>, vector<16xi32>,
      %shift_right_arithmetic3A_124 = arith.constant 2 : i32
      %shift_right_arithmetic3A_125 = vector.broadcast %shift_right_arithmetic3A_124 : i32 to vector<16xi32>
      %shift_right_arithmetic3A_126 = arith.shrsi %get3A_123, %shift_right_arithmetic3A_125 : vector<16xi32>
      %mul3A_127 = arith.constant 16 : i32
      %mul3A_128 = arith.muli %scan3A_115, %mul3A_127 : i32
      %swap3A_129 = arith.index_cast %mul3A_128 : i32 to index
      %swap3A_130 = tpu.vector_load %arg7[%swap3A_129] {strides = array<i32>} : memref<256xi32, #tpu.memory_space<vmem>>, vector<16xi32>,
      tpu.vector_store %arg7[%swap3A_129], %shift_right_arithmetic3A_126 {strides = array<i32>} : memref<256xi32, #tpu.memory_space<vmem>>, vector<16xi32>,
      %and3A_131 = arith.constant 3 : i32
      %and3A_132 = vector.broadcast %and3A_131 : i32 to vector<16xi32>
      %and3A_133 = arith.andi %get3A_123, %and3A_132 : vector<16xi32>
      %mul3A_134 = arith.constant 32 : i32
      %mul3A_135 = vector.broadcast %mul3A_134 : i32 to vector<16xi32>
      %mul3A_136 = arith.muli %and3A_133, %mul3A_135 : vector<16xi32>
      %mul3A_137 = arith.constant 16 : i32
      %mul3A_138 = arith.muli %scan3A_115, %mul3A_137 : i32
      %swap3A_139 = arith.index_cast %mul3A_138 : i32 to index
      %swap3A_140 = tpu.vector_load %arg9[%swap3A_139] {strides = array<i32>} : memref<256xi32, #tpu.memory_space<vmem>>, vector<16xi32>,
      tpu.vector_store %arg9[%swap3A_139], %mul3A_136 {strides = array<i32>} : memref<256xi32, #tpu.memory_space<vmem>>, vector<16xi32>,
    }
    %scan3A_15 = arith.constant 16 : i32
    %dma_start3A_16 = arith.constant 0 : i32
    %dma_start3A_17 = arith.constant 0 : i32
    %dma_start3A_18 = tpu.memref_slice %arg2[%dma_start3A_16, %dma_start3A_17] : memref<250000x128xf32, #tpu.memory_space<hbm>> -> memref<250000x128xf32, #tpu.memory_space<hbm>>
    tpu.enqueue_indirect_dma source(%dma_start3A_18 : memref<250000x128xf32, #tpu.memory_space<hbm>>) target(%arg11 : memref<256x128xf32, #tpu.memory_space<vmem>>) offsets(%arg7 : memref<256xi32, #tpu.memory_space<vmem>>) semaphore(%arg14 : memref<!tpu.dma_semaphore, #tpu.memory_space<semaphore_mem>>)
    %scan3A_19 = arith.constant 0 : i32
    %scan3A_20 = arith.constant 0 : i32
    %scan3A_21 = arith.constant 50 : i32
    %scan3A_22 = arith.addi %scan3A_20, %scan3A_21 : i32
    %scan3A_23 = arith.constant 1 : i32
    scf.for %scan3A_38 = %scan3A_20 to %scan3A_22 step %scan3A_23  : i32 {
      %mul3A_39 = arith.constant 2 : i32
      %mul3A_40 = arith.muli %mul3A_39, %scan3A_38 : i32
      %add3A_41 = arith.constant 0 : i32
      %add3A_42 = arith.addi %mul3A_40, %add3A_41 : i32
      %dma_wait3A_43 = arith.constant 0 : i32
      %dma_wait3A_44 = arith.constant 0 : i32
      %dma_wait3A_45 = tpu.memref_slice %arg2[%dma_wait3A_43, %dma_wait3A_44] : memref<250000x128xf32, #tpu.memory_space<hbm>> -> memref<250000x128xf32, #tpu.memory_space<hbm>>
      tpu.wait_indirect_dma semaphore(%arg14 : memref<!tpu.dma_semaphore, #tpu.memory_space<semaphore_mem>>) src(%dma_wait3A_45 : memref<250000x128xf32, #tpu.memory_space<hbm>>) dst(%arg10 : memref<256x128xf32, #tpu.memory_space<vmem>>)
      %ge3A = arith.constant 2 : i32
      %ge3A_46 = arith.cmpi sge, %add3A_42, %ge3A : i32
      %convert_element_type3A = arith.extui %ge3A_46 : i1 to i32
      %cond3A = arith.constant 0 : i32
      %cond3A_47 = arith.cmpi ne, %convert_element_type3A, %cond3A : i32
      scf.if %cond3A_47 {
        %dma_wait3A_102 = arith.constant 0 : i32
        %dma_wait3A_103 = arith.constant 0 : i32
        %dma_wait3A_104 = tpu.memref_slice %arg4[%dma_wait3A_102, %dma_wait3A_103, %mul3A_2] : memref<50x32x16384xf32, #tpu.memory_space<hbm>> -> memref<1x32x256xf32, #tpu.memory_space<hbm>>
        %dma_wait3A_105 = tpu.memref_squeeze %dma_wait3A_104 : memref<1x32x256xf32, #tpu.memory_space<hbm>> -> memref<32x256xf32, #tpu.memory_space<hbm>>
        %dma_wait3A_106 = arith.constant 0 : i32
        %dma_wait3A_107 = tpu.memref_slice %arg4[%dma_wait3A_102, %dma_wait3A_106, %mul3A_2] : memref<50x32x16384xf32, #tpu.memory_space<hbm>> -> memref<1x32x256xf32, #tpu.memory_space<hbm>>
        %dma_wait3A_108 = tpu.memref_squeeze %dma_wait3A_107 : memref<1x32x256xf32, #tpu.memory_space<hbm>> -> memref<32x256xf32, #tpu.memory_space<hbm>>
        tpu.wait_dma2 semaphore(%arg15 : memref<!tpu.dma_semaphore, #tpu.memory_space<semaphore_mem>>) src(%arg12 : memref<32x256xf32, #tpu.memory_space<vmem>>) dst(%dma_wait3A_108 : memref<32x256xf32, #tpu.memory_space<hbm>>)
      } else {
      }
      %parallel_loop3A = arith.constant 0 : i32
      %parallel_loop3A_48 = arith.constant 16 : i32
      %parallel_loop3A_49 = arith.constant 1 : i32
      scf.for %parallel_loop3A_102 = %parallel_loop3A to %parallel_loop3A_48 step %parallel_loop3A_49  : i32 {
        %parallel_loop3A_103 = arith.constant 16 : i32
        %parallel_loop3A_104 = arith.muli %parallel_loop3A_102, %parallel_loop3A_103 : i32
        %parallel_loop3A_105 = vector.broadcast %parallel_loop3A_104 : i32 to vector<16xi32>
        %parallel_loop3A_106 = arith.addi %parallel_loop3A_105, %iota3A : vector<16xi32>
        %parallel_loop3A_107 = arith.constant 16 : i32
        %parallel_loop3A_108 = arith.muli %parallel_loop3A_102, %parallel_loop3A_107 : i32
        %parallel_loop3A_109 = arith.index_cast %parallel_loop3A_108 : i32 to index
        %parallel_loop3A_110 = tpu.vector_load %arg8[%parallel_loop3A_109] {strides = array<i32>} : memref<256xi32, #tpu.memory_space<vmem>>, vector<16xi32>,
        %parallel_loop3A_111 = arith.constant 0 : i32
        %parallel_loop3A_112 = arith.constant 32 : i32
        %parallel_loop3A_113 = arith.constant 1 : i32
        scf.for %parallel_loop3A_114 = %parallel_loop3A_111 to %parallel_loop3A_112 step %parallel_loop3A_113  : i32 {
          %parallel_loop3A_115 = vector.broadcast %parallel_loop3A_114 : i32 to vector<16xi32>
          %parallel_loop3A_116 = arith.addi %parallel_loop3A_110, %parallel_loop3A_115 : vector<16xi32>
          %parallel_loop3A_117 = tpu.vector_load_idx %arg10[%parallel_loop3A_106, %parallel_loop3A_116] : memref<256x128xf32, #tpu.memory_space<vmem>>[vector<16xi32>, vector<16xi32>], vector<16xf32>,
          %parallel_loop3A_118 = arith.constant 16 : i32
          %parallel_loop3A_119 = arith.muli %parallel_loop3A_102, %parallel_loop3A_118 : i32
          %parallel_loop3A_120 = arith.index_cast %parallel_loop3A_114 : i32 to index
          %parallel_loop3A_121 = arith.index_cast %parallel_loop3A_119 : i32 to index
          %parallel_loop3A_122 = tpu.vector_load %arg12[%parallel_loop3A_120, %parallel_loop3A_121] {strides = array<i32>} : memref<32x256xf32, #tpu.memory_space<vmem>>, vector<16xf32>,
          tpu.vector_store %arg12[%parallel_loop3A_120, %parallel_loop3A_121], %parallel_loop3A_117 {strides = array<i32>} : memref<32x256xf32, #tpu.memory_space<vmem>>, vector<16xf32>,
        } {sc.loop_unroll_factor = 8 : i64, sc.parallel_access}
      } {sc.loop_unroll_factor = 1 : i64, sc.parallel_access}
      %shift_right_arithmetic3A = arith.constant 1 : i32
      %shift_right_arithmetic3A_50 = arith.shrsi %add3A_42, %shift_right_arithmetic3A : i32
      %and3A = arith.constant 1 : i32
      %and3A_51 = arith.andi %add3A_42, %and3A : i32
      %mul3A_52 = arith.constant 256 : i32
      %mul3A_53 = arith.muli %and3A_51, %mul3A_52 : i32
      %add3A_54 = arith.addi %mul3A_2, %mul3A_53 : i32
      %dma_start3A_55 = arith.constant 0 : i32
      %dma_start3A_56 = tpu.memref_slice %arg4[%shift_right_arithmetic3A_50, %dma_start3A_55, %add3A_54] : memref<50x32x16384xf32, #tpu.memory_space<hbm>> -> memref<1x32x256xf32, #tpu.memory_space<hbm>>
      %dma_start3A_57 = tpu.memref_squeeze %dma_start3A_56 : memref<1x32x256xf32, #tpu.memory_space<hbm>> -> memref<32x256xf32, #tpu.memory_space<hbm>>
      %dma_start3A_58 = arith.constant 0 : i32
      %dma_start3A_59 = tpu.memref_slice %arg4[%shift_right_arithmetic3A_50, %dma_start3A_58, %add3A_54] : memref<50x32x16384xf32, #tpu.memory_space<hbm>> -> memref<1x32x256xf32, #tpu.memory_space<hbm>>
      %dma_start3A_60 = tpu.memref_squeeze %dma_start3A_59 : memref<1x32x256xf32, #tpu.memory_space<hbm>> -> memref<32x256xf32, #tpu.memory_space<hbm>>
      tpu.enqueue_dma source(%arg12 : memref<32x256xf32, #tpu.memory_space<vmem>>) target(%dma_start3A_60 : memref<32x256xf32, #tpu.memory_space<hbm>>) target_semaphore(%arg15 : memref<!tpu.dma_semaphore, #tpu.memory_space<semaphore_mem>>)
      %add3A_61 = arith.constant 2 : i32
      %add3A_62 = arith.addi %add3A_42, %add3A_61 : i32
      %lt3A = arith.constant 100 : i32
      %lt3A_63 = arith.cmpi slt, %add3A_62, %lt3A : i32
      %convert_element_type3A_64 = arith.extui %lt3A_63 : i1 to i32
      %cond3A_65 = arith.constant 0 : i32
      %cond3A_66 = arith.cmpi ne, %convert_element_type3A_64, %cond3A_65 : i32
      scf.if %cond3A_66 {
        %add3A_102 = arith.constant 2 : i32
        %add3A_103 = arith.addi %add3A_42, %add3A_102 : i32
        %shift_right_arithmetic3A_104 = arith.constant 1 : i32
        %shift_right_arithmetic3A_105 = arith.shrsi %add3A_103, %shift_right_arithmetic3A_104 : i32
        %and3A_106 = arith.constant 1 : i32
        %and3A_107 = arith.andi %add3A_103, %and3A_106 : i32
        %mul3A_108 = arith.constant 256 : i32
        %mul3A_109 = arith.muli %and3A_107, %mul3A_108 : i32
        %scan3A_110 = arith.constant 0 : i32
        %scan3A_111 = arith.constant 0 : i32
        %scan3A_112 = arith.constant 16 : i32
        %scan3A_113 = arith.addi %scan3A_111, %scan3A_112 : i32
        %scan3A_114 = arith.constant 4 : i32
        scf.for %scan3A_121 = %scan3A_111 to %scan3A_113 step %scan3A_114  : i32 {
          %mul3A_122 = arith.constant 16 : i32
          %mul3A_123 = arith.muli %scan3A_121, %mul3A_122 : i32
          %add3A_124 = arith.addi %mul3A_109, %mul3A_123 : i32
          %get3A = arith.index_cast %shift_right_arithmetic3A_105 : i32 to index
          %get3A_125 = arith.index_cast %add3A_124 : i32 to index
          %get3A_126 = tpu.vector_load %arg5[%get3A, %get3A_125] {strides = array<i32>} : memref<50x512xi32, #tpu.memory_space<vmem>>, vector<16xi32>,
          %shift_right_arithmetic3A_127 = arith.constant 2 : i32
          %shift_right_arithmetic3A_128 = vector.broadcast %shift_right_arithmetic3A_127 : i32 to vector<16xi32>
          %shift_right_arithmetic3A_129 = arith.shrsi %get3A_126, %shift_right_arithmetic3A_128 : vector<16xi32>
          %mul3A_130 = arith.constant 16 : i32
          %mul3A_131 = arith.muli %scan3A_121, %mul3A_130 : i32
          %swap3A = arith.index_cast %mul3A_131 : i32 to index
          %swap3A_132 = tpu.vector_load %arg6[%swap3A] {strides = array<i32>} : memref<256xi32, #tpu.memory_space<vmem>>, vector<16xi32>,
          tpu.vector_store %arg6[%swap3A], %shift_right_arithmetic3A_129 {strides = array<i32>} : memref<256xi32, #tpu.memory_space<vmem>>, vector<16xi32>,
          %and3A_133 = arith.constant 3 : i32
          %and3A_134 = vector.broadcast %and3A_133 : i32 to vector<16xi32>
          %and3A_135 = arith.andi %get3A_126, %and3A_134 : vector<16xi32>
          %mul3A_136 = arith.constant 32 : i32
          %mul3A_137 = vector.broadcast %mul3A_136 : i32 to vector<16xi32>
          %mul3A_138 = arith.muli %and3A_135, %mul3A_137 : vector<16xi32>
          %mul3A_139 = arith.constant 16 : i32
          %mul3A_140 = arith.muli %scan3A_121, %mul3A_139 : i32
          %swap3A_141 = arith.index_cast %mul3A_140 : i32 to index
          %swap3A_142 = tpu.vector_load %arg8[%swap3A_141] {strides = array<i32>} : memref<256xi32, #tpu.memory_space<vmem>>, vector<16xi32>,
          tpu.vector_store %arg8[%swap3A_141], %mul3A_138 {strides = array<i32>} : memref<256xi32, #tpu.memory_space<vmem>>, vector<16xi32>,
          %scan3A_143 = arith.constant 1 : i32
          %scan3A_144 = arith.addi %scan3A_121, %scan3A_143 : i32
          %mul3A_145 = arith.constant 16 : i32
          %mul3A_146 = arith.muli %scan3A_144, %mul3A_145 : i32
          %add3A_147 = arith.addi %mul3A_109, %mul3A_146 : i32
          %get3A_148 = arith.index_cast %shift_right_arithmetic3A_105 : i32 to index
          %get3A_149 = arith.index_cast %add3A_147 : i32 to index
          %get3A_150 = tpu.vector_load %arg5[%get3A_148, %get3A_149] {strides = array<i32>} : memref<50x512xi32, #tpu.memory_space<vmem>>, vector<16xi32>,
          %shift_right_arithmetic3A_151 = arith.constant 2 : i32
          %shift_right_arithmetic3A_152 = vector.broadcast %shift_right_arithmetic3A_151 : i32 to vector<16xi32>
          %shift_right_arithmetic3A_153 = arith.shrsi %get3A_150, %shift_right_arithmetic3A_152 : vector<16xi32>
          %mul3A_154 = arith.constant 16 : i32
          %mul3A_155 = arith.muli %scan3A_144, %mul3A_154 : i32
          %swap3A_156 = arith.index_cast %mul3A_155 : i32 to index
          %swap3A_157 = tpu.vector_load %arg6[%swap3A_156] {strides = array<i32>} : memref<256xi32, #tpu.memory_space<vmem>>, vector<16xi32>,
          tpu.vector_store %arg6[%swap3A_156], %shift_right_arithmetic3A_153 {strides = array<i32>} : memref<256xi32, #tpu.memory_space<vmem>>, vector<16xi32>,
          %and3A_158 = arith.constant 3 : i32
          %and3A_159 = vector.broadcast %and3A_158 : i32 to vector<16xi32>
          %and3A_160 = arith.andi %get3A_150, %and3A_159 : vector<16xi32>
          %mul3A_161 = arith.constant 32 : i32
          %mul3A_162 = vector.broadcast %mul3A_161 : i32 to vector<16xi32>
          %mul3A_163 = arith.muli %and3A_160, %mul3A_162 : vector<16xi32>
          %mul3A_164 = arith.constant 16 : i32
          %mul3A_165 = arith.muli %scan3A_144, %mul3A_164 : i32
          %swap3A_166 = arith.index_cast %mul3A_165 : i32 to index
          %swap3A_167 = tpu.vector_load %arg8[%swap3A_166] {strides = array<i32>} : memref<256xi32, #tpu.memory_space<vmem>>, vector<16xi32>,
          tpu.vector_store %arg8[%swap3A_166], %mul3A_163 {strides = array<i32>} : memref<256xi32, #tpu.memory_space<vmem>>, vector<16xi32>,
          %scan3A_168 = arith.constant 2 : i32
          %scan3A_169 = arith.addi %scan3A_121, %scan3A_168 : i32
          %mul3A_170 = arith.constant 16 : i32
          %mul3A_171 = arith.muli %scan3A_169, %mul3A_170 : i32
          %add3A_172 = arith.addi %mul3A_109, %mul3A_171 : i32
          %get3A_173 = arith.index_cast %shift_right_arithmetic3A_105 : i32 to index
          %get3A_174 = arith.index_cast %add3A_172 : i32 to index
          %get3A_175 = tpu.vector_load %arg5[%get3A_173, %get3A_174] {strides = array<i32>} : memref<50x512xi32, #tpu.memory_space<vmem>>, vector<16xi32>,
          %shift_right_arithmetic3A_176 = arith.constant 2 : i32
          %shift_right_arithmetic3A_177 = vector.broadcast %shift_right_arithmetic3A_176 : i32 to vector<16xi32>
          %shift_right_arithmetic3A_178 = arith.shrsi %get3A_175, %shift_right_arithmetic3A_177 : vector<16xi32>
          %mul3A_179 = arith.constant 16 : i32
          %mul3A_180 = arith.muli %scan3A_169, %mul3A_179 : i32
          %swap3A_181 = arith.index_cast %mul3A_180 : i32 to index
          %swap3A_182 = tpu.vector_load %arg6[%swap3A_181] {strides = array<i32>} : memref<256xi32, #tpu.memory_space<vmem>>, vector<16xi32>,
          tpu.vector_store %arg6[%swap3A_181], %shift_right_arithmetic3A_178 {strides = array<i32>} : memref<256xi32, #tpu.memory_space<vmem>>, vector<16xi32>,
          %and3A_183 = arith.constant 3 : i32
          %and3A_184 = vector.broadcast %and3A_183 : i32 to vector<16xi32>
          %and3A_185 = arith.andi %get3A_175, %and3A_184 : vector<16xi32>
          %mul3A_186 = arith.constant 32 : i32
          %mul3A_187 = vector.broadcast %mul3A_186 : i32 to vector<16xi32>
          %mul3A_188 = arith.muli %and3A_185, %mul3A_187 : vector<16xi32>
          %mul3A_189 = arith.constant 16 : i32
          %mul3A_190 = arith.muli %scan3A_169, %mul3A_189 : i32
          %swap3A_191 = arith.index_cast %mul3A_190 : i32 to index
          %swap3A_192 = tpu.vector_load %arg8[%swap3A_191] {strides = array<i32>} : memref<256xi32, #tpu.memory_space<vmem>>, vector<16xi32>,
          tpu.vector_store %arg8[%swap3A_191], %mul3A_188 {strides = array<i32>} : memref<256xi32, #tpu.memory_space<vmem>>, vector<16xi32>,
          %scan3A_193 = arith.constant 3 : i32
          %scan3A_194 = arith.addi %scan3A_121, %scan3A_193 : i32
          %mul3A_195 = arith.constant 16 : i32
          %mul3A_196 = arith.muli %scan3A_194, %mul3A_195 : i32
          %add3A_197 = arith.addi %mul3A_109, %mul3A_196 : i32
          %get3A_198 = arith.index_cast %shift_right_arithmetic3A_105 : i32 to index
          %get3A_199 = arith.index_cast %add3A_197 : i32 to index
          %get3A_200 = tpu.vector_load %arg5[%get3A_198, %get3A_199] {strides = array<i32>} : memref<50x512xi32, #tpu.memory_space<vmem>>, vector<16xi32>,
          %shift_right_arithmetic3A_201 = arith.constant 2 : i32
          %shift_right_arithmetic3A_202 = vector.broadcast %shift_right_arithmetic3A_201 : i32 to vector<16xi32>
          %shift_right_arithmetic3A_203 = arith.shrsi %get3A_200, %shift_right_arithmetic3A_202 : vector<16xi32>
          %mul3A_204 = arith.constant 16 : i32
          %mul3A_205 = arith.muli %scan3A_194, %mul3A_204 : i32
          %swap3A_206 = arith.index_cast %mul3A_205 : i32 to index
          %swap3A_207 = tpu.vector_load %arg6[%swap3A_206] {strides = array<i32>} : memref<256xi32, #tpu.memory_space<vmem>>, vector<16xi32>,
          tpu.vector_store %arg6[%swap3A_206], %shift_right_arithmetic3A_203 {strides = array<i32>} : memref<256xi32, #tpu.memory_space<vmem>>, vector<16xi32>,
          %and3A_208 = arith.constant 3 : i32
          %and3A_209 = vector.broadcast %and3A_208 : i32 to vector<16xi32>
          %and3A_210 = arith.andi %get3A_200, %and3A_209 : vector<16xi32>
          %mul3A_211 = arith.constant 32 : i32
          %mul3A_212 = vector.broadcast %mul3A_211 : i32 to vector<16xi32>
          %mul3A_213 = arith.muli %and3A_210, %mul3A_212 : vector<16xi32>
          %mul3A_214 = arith.constant 16 : i32
          %mul3A_215 = arith.muli %scan3A_194, %mul3A_214 : i32
          %swap3A_216 = arith.index_cast %mul3A_215 : i32 to index
          %swap3A_217 = tpu.vector_load %arg8[%swap3A_216] {strides = array<i32>} : memref<256xi32, #tpu.memory_space<vmem>>, vector<16xi32>,
          tpu.vector_store %arg8[%swap3A_216], %mul3A_213 {strides = array<i32>} : memref<256xi32, #tpu.memory_space<vmem>>, vector<16xi32>,
        }
        %scan3A_115 = arith.constant 16 : i32
        %add3A_116 = arith.constant 2 : i32
        %add3A_117 = arith.addi %add3A_42, %add3A_116 : i32
        %dma_start3A_118 = arith.constant 0 : i32
        %dma_start3A_119 = arith.constant 0 : i32
        %dma_start3A_120 = tpu.memref_slice %arg2[%dma_start3A_118, %dma_start3A_119] : memref<250000x128xf32, #tpu.memory_space<hbm>> -> memref<250000x128xf32, #tpu.memory_space<hbm>>
        tpu.enqueue_indirect_dma source(%dma_start3A_120 : memref<250000x128xf32, #tpu.memory_space<hbm>>) target(%arg10 : memref<256x128xf32, #tpu.memory_space<vmem>>) offsets(%arg6 : memref<256xi32, #tpu.memory_space<vmem>>) semaphore(%arg14 : memref<!tpu.dma_semaphore, #tpu.memory_space<semaphore_mem>>)
      } else {
      }
      %mul3A_67 = arith.constant 2 : i32
      %mul3A_68 = arith.muli %mul3A_67, %scan3A_38 : i32
      %add3A_69 = arith.constant 1 : i32
      %add3A_70 = arith.addi %mul3A_68, %add3A_69 : i32
      %dma_wait3A_71 = arith.constant 0 : i32
      %dma_wait3A_72 = arith.constant 0 : i32
      %dma_wait3A_73 = tpu.memref_slice %arg2[%dma_wait3A_71, %dma_wait3A_72] : memref<250000x128xf32, #tpu.memory_space<hbm>> -> memref<250000x128xf32, #tpu.memory_space<hbm>>
      tpu.wait_indirect_dma semaphore(%arg14 : memref<!tpu.dma_semaphore, #tpu.memory_space<semaphore_mem>>) src(%dma_wait3A_73 : memref<250000x128xf32, #tpu.memory_space<hbm>>) dst(%arg11 : memref<256x128xf32, #tpu.memory_space<vmem>>)
      %ge3A_74 = arith.constant 2 : i32
      %ge3A_75 = arith.cmpi sge, %add3A_70, %ge3A_74 : i32
      %convert_element_type3A_76 = arith.extui %ge3A_75 : i1 to i32
      %cond3A_77 = arith.constant 0 : i32
      %cond3A_78 = arith.cmpi ne, %convert_element_type3A_76, %cond3A_77 : i32
      scf.if %cond3A_78 {
        %dma_wait3A_102 = arith.constant 0 : i32
        %dma_wait3A_103 = arith.constant 0 : i32
        %dma_wait3A_104 = tpu.memref_slice %arg4[%dma_wait3A_102, %dma_wait3A_103, %mul3A_2] : memref<50x32x16384xf32, #tpu.memory_space<hbm>> -> memref<1x32x256xf32, #tpu.memory_space<hbm>>
        %dma_wait3A_105 = tpu.memref_squeeze %dma_wait3A_104 : memref<1x32x256xf32, #tpu.memory_space<hbm>> -> memref<32x256xf32, #tpu.memory_space<hbm>>
        %dma_wait3A_106 = arith.constant 0 : i32
        %dma_wait3A_107 = tpu.memref_slice %arg4[%dma_wait3A_102, %dma_wait3A_106, %mul3A_2] : memref<50x32x16384xf32, #tpu.memory_space<hbm>> -> memref<1x32x256xf32, #tpu.memory_space<hbm>>
        %dma_wait3A_108 = tpu.memref_squeeze %dma_wait3A_107 : memref<1x32x256xf32, #tpu.memory_space<hbm>> -> memref<32x256xf32, #tpu.memory_space<hbm>>
        tpu.wait_dma2 semaphore(%arg15 : memref<!tpu.dma_semaphore, #tpu.memory_space<semaphore_mem>>) src(%arg13 : memref<32x256xf32, #tpu.memory_space<vmem>>) dst(%dma_wait3A_108 : memref<32x256xf32, #tpu.memory_space<hbm>>)
      } else {
      }
      %parallel_loop3A_79 = arith.constant 0 : i32
      %parallel_loop3A_80 = arith.constant 16 : i32
      %parallel_loop3A_81 = arith.constant 1 : i32
      scf.for %parallel_loop3A_102 = %parallel_loop3A_79 to %parallel_loop3A_80 step %parallel_loop3A_81  : i32 {
        %parallel_loop3A_103 = arith.constant 16 : i32
        %parallel_loop3A_104 = arith.muli %parallel_loop3A_102, %parallel_loop3A_103 : i32
        %parallel_loop3A_105 = vector.broadcast %parallel_loop3A_104 : i32 to vector<16xi32>
        %parallel_loop3A_106 = arith.addi %parallel_loop3A_105, %iota3A : vector<16xi32>
        %parallel_loop3A_107 = arith.constant 16 : i32
        %parallel_loop3A_108 = arith.muli %parallel_loop3A_102, %parallel_loop3A_107 : i32
        %parallel_loop3A_109 = arith.index_cast %parallel_loop3A_108 : i32 to index
        %parallel_loop3A_110 = tpu.vector_load %arg9[%parallel_loop3A_109] {strides = array<i32>} : memref<256xi32, #tpu.memory_space<vmem>>, vector<16xi32>,
        %parallel_loop3A_111 = arith.constant 0 : i32
        %parallel_loop3A_112 = arith.constant 32 : i32
        %parallel_loop3A_113 = arith.constant 1 : i32
        scf.for %parallel_loop3A_114 = %parallel_loop3A_111 to %parallel_loop3A_112 step %parallel_loop3A_113  : i32 {
          %parallel_loop3A_115 = vector.broadcast %parallel_loop3A_114 : i32 to vector<16xi32>
          %parallel_loop3A_116 = arith.addi %parallel_loop3A_110, %parallel_loop3A_115 : vector<16xi32>
          %parallel_loop3A_117 = tpu.vector_load_idx %arg11[%parallel_loop3A_106, %parallel_loop3A_116] : memref<256x128xf32, #tpu.memory_space<vmem>>[vector<16xi32>, vector<16xi32>], vector<16xf32>,
          %parallel_loop3A_118 = arith.constant 16 : i32
          %parallel_loop3A_119 = arith.muli %parallel_loop3A_102, %parallel_loop3A_118 : i32
          %parallel_loop3A_120 = arith.index_cast %parallel_loop3A_114 : i32 to index
          %parallel_loop3A_121 = arith.index_cast %parallel_loop3A_119 : i32 to index
          %parallel_loop3A_122 = tpu.vector_load %arg13[%parallel_loop3A_120, %parallel_loop3A_121] {strides = array<i32>} : memref<32x256xf32, #tpu.memory_space<vmem>>, vector<16xf32>,
          tpu.vector_store %arg13[%parallel_loop3A_120, %parallel_loop3A_121], %parallel_loop3A_117 {strides = array<i32>} : memref<32x256xf32, #tpu.memory_space<vmem>>, vector<16xf32>,
        } {sc.loop_unroll_factor = 8 : i64, sc.parallel_access}
      } {sc.loop_unroll_factor = 1 : i64, sc.parallel_access}
      %shift_right_arithmetic3A_82 = arith.constant 1 : i32
      %shift_right_arithmetic3A_83 = arith.shrsi %add3A_70, %shift_right_arithmetic3A_82 : i32
      %and3A_84 = arith.constant 1 : i32
      %and3A_85 = arith.andi %add3A_70, %and3A_84 : i32
      %mul3A_86 = arith.constant 256 : i32
      %mul3A_87 = arith.muli %and3A_85, %mul3A_86 : i32
      %add3A_88 = arith.addi %mul3A_2, %mul3A_87 : i32
      %dma_start3A_89 = arith.constant 0 : i32
      %dma_start3A_90 = tpu.memref_slice %arg4[%shift_right_arithmetic3A_83, %dma_start3A_89, %add3A_88] : memref<50x32x16384xf32, #tpu.memory_space<hbm>> -> memref<1x32x256xf32, #tpu.memory_space<hbm>>
      %dma_start3A_91 = tpu.memref_squeeze %dma_start3A_90 : memref<1x32x256xf32, #tpu.memory_space<hbm>> -> memref<32x256xf32, #tpu.memory_space<hbm>>
      %dma_start3A_92 = arith.constant 0 : i32
      %dma_start3A_93 = tpu.memref_slice %arg4[%shift_right_arithmetic3A_83, %dma_start3A_92, %add3A_88] : memref<50x32x16384xf32, #tpu.memory_space<hbm>> -> memref<1x32x256xf32, #tpu.memory_space<hbm>>
      %dma_start3A_94 = tpu.memref_squeeze %dma_start3A_93 : memref<1x32x256xf32, #tpu.memory_space<hbm>> -> memref<32x256xf32, #tpu.memory_space<hbm>>
      tpu.enqueue_dma source(%arg13 : memref<32x256xf32, #tpu.memory_space<vmem>>) target(%dma_start3A_94 : memref<32x256xf32, #tpu.memory_space<hbm>>) target_semaphore(%arg15 : memref<!tpu.dma_semaphore, #tpu.memory_space<semaphore_mem>>)
      %add3A_95 = arith.constant 2 : i32
      %add3A_96 = arith.addi %add3A_70, %add3A_95 : i32
      %lt3A_97 = arith.constant 100 : i32
      %lt3A_98 = arith.cmpi slt, %add3A_96, %lt3A_97 : i32
      %convert_element_type3A_99 = arith.extui %lt3A_98 : i1 to i32
      %cond3A_100 = arith.constant 0 : i32
      %cond3A_101 = arith.cmpi ne, %convert_element_type3A_99, %cond3A_100 : i32
      scf.if %cond3A_101 {
        %add3A_102 = arith.constant 2 : i32
        %add3A_103 = arith.addi %add3A_70, %add3A_102 : i32
        %shift_right_arithmetic3A_104 = arith.constant 1 : i32
        %shift_right_arithmetic3A_105 = arith.shrsi %add3A_103, %shift_right_arithmetic3A_104 : i32
        %and3A_106 = arith.constant 1 : i32
        %and3A_107 = arith.andi %add3A_103, %and3A_106 : i32
        %mul3A_108 = arith.constant 256 : i32
        %mul3A_109 = arith.muli %and3A_107, %mul3A_108 : i32
        %scan3A_110 = arith.constant 0 : i32
        %scan3A_111 = arith.constant 0 : i32
        %scan3A_112 = arith.constant 16 : i32
        %scan3A_113 = arith.addi %scan3A_111, %scan3A_112 : i32
        %scan3A_114 = arith.constant 4 : i32
        scf.for %scan3A_121 = %scan3A_111 to %scan3A_113 step %scan3A_114  : i32 {
          %mul3A_122 = arith.constant 16 : i32
          %mul3A_123 = arith.muli %scan3A_121, %mul3A_122 : i32
          %add3A_124 = arith.addi %mul3A_109, %mul3A_123 : i32
          %get3A = arith.index_cast %shift_right_arithmetic3A_105 : i32 to index
          %get3A_125 = arith.index_cast %add3A_124 : i32 to index
          %get3A_126 = tpu.vector_load %arg5[%get3A, %get3A_125] {strides = array<i32>} : memref<50x512xi32, #tpu.memory_space<vmem>>, vector<16xi32>,
          %shift_right_arithmetic3A_127 = arith.constant 2 : i32
          %shift_right_arithmetic3A_128 = vector.broadcast %shift_right_arithmetic3A_127 : i32 to vector<16xi32>
          %shift_right_arithmetic3A_129 = arith.shrsi %get3A_126, %shift_right_arithmetic3A_128 : vector<16xi32>
          %mul3A_130 = arith.constant 16 : i32
          %mul3A_131 = arith.muli %scan3A_121, %mul3A_130 : i32
          %swap3A = arith.index_cast %mul3A_131 : i32 to index
          %swap3A_132 = tpu.vector_load %arg7[%swap3A] {strides = array<i32>} : memref<256xi32, #tpu.memory_space<vmem>>, vector<16xi32>,
          tpu.vector_store %arg7[%swap3A], %shift_right_arithmetic3A_129 {strides = array<i32>} : memref<256xi32, #tpu.memory_space<vmem>>, vector<16xi32>,
          %and3A_133 = arith.constant 3 : i32
          %and3A_134 = vector.broadcast %and3A_133 : i32 to vector<16xi32>
          %and3A_135 = arith.andi %get3A_126, %and3A_134 : vector<16xi32>
          %mul3A_136 = arith.constant 32 : i32
          %mul3A_137 = vector.broadcast %mul3A_136 : i32 to vector<16xi32>
          %mul3A_138 = arith.muli %and3A_135, %mul3A_137 : vector<16xi32>
          %mul3A_139 = arith.constant 16 : i32
          %mul3A_140 = arith.muli %scan3A_121, %mul3A_139 : i32
          %swap3A_141 = arith.index_cast %mul3A_140 : i32 to index
          %swap3A_142 = tpu.vector_load %arg9[%swap3A_141] {strides = array<i32>} : memref<256xi32, #tpu.memory_space<vmem>>, vector<16xi32>,
          tpu.vector_store %arg9[%swap3A_141], %mul3A_138 {strides = array<i32>} : memref<256xi32, #tpu.memory_space<vmem>>, vector<16xi32>,
          %scan3A_143 = arith.constant 1 : i32
          %scan3A_144 = arith.addi %scan3A_121, %scan3A_143 : i32
          %mul3A_145 = arith.constant 16 : i32
          %mul3A_146 = arith.muli %scan3A_144, %mul3A_145 : i32
          %add3A_147 = arith.addi %mul3A_109, %mul3A_146 : i32
          %get3A_148 = arith.index_cast %shift_right_arithmetic3A_105 : i32 to index
          %get3A_149 = arith.index_cast %add3A_147 : i32 to index
          %get3A_150 = tpu.vector_load %arg5[%get3A_148, %get3A_149] {strides = array<i32>} : memref<50x512xi32, #tpu.memory_space<vmem>>, vector<16xi32>,
          %shift_right_arithmetic3A_151 = arith.constant 2 : i32
          %shift_right_arithmetic3A_152 = vector.broadcast %shift_right_arithmetic3A_151 : i32 to vector<16xi32>
          %shift_right_arithmetic3A_153 = arith.shrsi %get3A_150, %shift_right_arithmetic3A_152 : vector<16xi32>
          %mul3A_154 = arith.constant 16 : i32
          %mul3A_155 = arith.muli %scan3A_144, %mul3A_154 : i32
          %swap3A_156 = arith.index_cast %mul3A_155 : i32 to index
          %swap3A_157 = tpu.vector_load %arg7[%swap3A_156] {strides = array<i32>} : memref<256xi32, #tpu.memory_space<vmem>>, vector<16xi32>,
          tpu.vector_store %arg7[%swap3A_156], %shift_right_arithmetic3A_153 {strides = array<i32>} : memref<256xi32, #tpu.memory_space<vmem>>, vector<16xi32>,
          %and3A_158 = arith.constant 3 : i32
          %and3A_159 = vector.broadcast %and3A_158 : i32 to vector<16xi32>
          %and3A_160 = arith.andi %get3A_150, %and3A_159 : vector<16xi32>
          %mul3A_161 = arith.constant 32 : i32
          %mul3A_162 = vector.broadcast %mul3A_161 : i32 to vector<16xi32>
          %mul3A_163 = arith.muli %and3A_160, %mul3A_162 : vector<16xi32>
          %mul3A_164 = arith.constant 16 : i32
          %mul3A_165 = arith.muli %scan3A_144, %mul3A_164 : i32
          %swap3A_166 = arith.index_cast %mul3A_165 : i32 to index
          %swap3A_167 = tpu.vector_load %arg9[%swap3A_166] {strides = array<i32>} : memref<256xi32, #tpu.memory_space<vmem>>, vector<16xi32>,
          tpu.vector_store %arg9[%swap3A_166], %mul3A_163 {strides = array<i32>} : memref<256xi32, #tpu.memory_space<vmem>>, vector<16xi32>,
          %scan3A_168 = arith.constant 2 : i32
          %scan3A_169 = arith.addi %scan3A_121, %scan3A_168 : i32
          %mul3A_170 = arith.constant 16 : i32
          %mul3A_171 = arith.muli %scan3A_169, %mul3A_170 : i32
          %add3A_172 = arith.addi %mul3A_109, %mul3A_171 : i32
          %get3A_173 = arith.index_cast %shift_right_arithmetic3A_105 : i32 to index
          %get3A_174 = arith.index_cast %add3A_172 : i32 to index
          %get3A_175 = tpu.vector_load %arg5[%get3A_173, %get3A_174] {strides = array<i32>} : memref<50x512xi32, #tpu.memory_space<vmem>>, vector<16xi32>,
          %shift_right_arithmetic3A_176 = arith.constant 2 : i32
          %shift_right_arithmetic3A_177 = vector.broadcast %shift_right_arithmetic3A_176 : i32 to vector<16xi32>
          %shift_right_arithmetic3A_178 = arith.shrsi %get3A_175, %shift_right_arithmetic3A_177 : vector<16xi32>
          %mul3A_179 = arith.constant 16 : i32
          %mul3A_180 = arith.muli %scan3A_169, %mul3A_179 : i32
          %swap3A_181 = arith.index_cast %mul3A_180 : i32 to index
          %swap3A_182 = tpu.vector_load %arg7[%swap3A_181] {strides = array<i32>} : memref<256xi32, #tpu.memory_space<vmem>>, vector<16xi32>,
          tpu.vector_store %arg7[%swap3A_181], %shift_right_arithmetic3A_178 {strides = array<i32>} : memref<256xi32, #tpu.memory_space<vmem>>, vector<16xi32>,
          %and3A_183 = arith.constant 3 : i32
          %and3A_184 = vector.broadcast %and3A_183 : i32 to vector<16xi32>
          %and3A_185 = arith.andi %get3A_175, %and3A_184 : vector<16xi32>
          %mul3A_186 = arith.constant 32 : i32
          %mul3A_187 = vector.broadcast %mul3A_186 : i32 to vector<16xi32>
          %mul3A_188 = arith.muli %and3A_185, %mul3A_187 : vector<16xi32>
          %mul3A_189 = arith.constant 16 : i32
          %mul3A_190 = arith.muli %scan3A_169, %mul3A_189 : i32
          %swap3A_191 = arith.index_cast %mul3A_190 : i32 to index
          %swap3A_192 = tpu.vector_load %arg9[%swap3A_191] {strides = array<i32>} : memref<256xi32, #tpu.memory_space<vmem>>, vector<16xi32>,
          tpu.vector_store %arg9[%swap3A_191], %mul3A_188 {strides = array<i32>} : memref<256xi32, #tpu.memory_space<vmem>>, vector<16xi32>,
          %scan3A_193 = arith.constant 3 : i32
          %scan3A_194 = arith.addi %scan3A_121, %scan3A_193 : i32
          %mul3A_195 = arith.constant 16 : i32
          %mul3A_196 = arith.muli %scan3A_194, %mul3A_195 : i32
          %add3A_197 = arith.addi %mul3A_109, %mul3A_196 : i32
          %get3A_198 = arith.index_cast %shift_right_arithmetic3A_105 : i32 to index
          %get3A_199 = arith.index_cast %add3A_197 : i32 to index
          %get3A_200 = tpu.vector_load %arg5[%get3A_198, %get3A_199] {strides = array<i32>} : memref<50x512xi32, #tpu.memory_space<vmem>>, vector<16xi32>,
          %shift_right_arithmetic3A_201 = arith.constant 2 : i32
          %shift_right_arithmetic3A_202 = vector.broadcast %shift_right_arithmetic3A_201 : i32 to vector<16xi32>
          %shift_right_arithmetic3A_203 = arith.shrsi %get3A_200, %shift_right_arithmetic3A_202 : vector<16xi32>
          %mul3A_204 = arith.constant 16 : i32
          %mul3A_205 = arith.muli %scan3A_194, %mul3A_204 : i32
          %swap3A_206 = arith.index_cast %mul3A_205 : i32 to index
          %swap3A_207 = tpu.vector_load %arg7[%swap3A_206] {strides = array<i32>} : memref<256xi32, #tpu.memory_space<vmem>>, vector<16xi32>,
          tpu.vector_store %arg7[%swap3A_206], %shift_right_arithmetic3A_203 {strides = array<i32>} : memref<256xi32, #tpu.memory_space<vmem>>, vector<16xi32>,
          %and3A_208 = arith.constant 3 : i32
          %and3A_209 = vector.broadcast %and3A_208 : i32 to vector<16xi32>
          %and3A_210 = arith.andi %get3A_200, %and3A_209 : vector<16xi32>
          %mul3A_211 = arith.constant 32 : i32
          %mul3A_212 = vector.broadcast %mul3A_211 : i32 to vector<16xi32>
          %mul3A_213 = arith.muli %and3A_210, %mul3A_212 : vector<16xi32>
          %mul3A_214 = arith.constant 16 : i32
          %mul3A_215 = arith.muli %scan3A_194, %mul3A_214 : i32
          %swap3A_216 = arith.index_cast %mul3A_215 : i32 to index
          %swap3A_217 = tpu.vector_load %arg9[%swap3A_216] {strides = array<i32>} : memref<256xi32, #tpu.memory_space<vmem>>, vector<16xi32>,
          tpu.vector_store %arg9[%swap3A_216], %mul3A_213 {strides = array<i32>} : memref<256xi32, #tpu.memory_space<vmem>>, vector<16xi32>,
        }
        %scan3A_115 = arith.constant 16 : i32
        %add3A_116 = arith.constant 2 : i32
        %add3A_117 = arith.addi %add3A_70, %add3A_116 : i32
        %dma_start3A_118 = arith.constant 0 : i32
        %dma_start3A_119 = arith.constant 0 : i32
        %dma_start3A_120 = tpu.memref_slice %arg2[%dma_start3A_118, %dma_start3A_119] : memref<250000x128xf32, #tpu.memory_space<hbm>> -> memref<250000x128xf32, #tpu.memory_space<hbm>>
        tpu.enqueue_indirect_dma source(%dma_start3A_120 : memref<250000x128xf32, #tpu.memory_space<hbm>>) target(%arg11 : memref<256x128xf32, #tpu.memory_space<vmem>>) offsets(%arg7 : memref<256xi32, #tpu.memory_space<vmem>>) semaphore(%arg14 : memref<!tpu.dma_semaphore, #tpu.memory_space<semaphore_mem>>)
      } else {
      }
    }
    %scan3A_24 = arith.constant 50 : i32
    %dma_wait3A = arith.constant 0 : i32
    %dma_wait3A_25 = arith.constant 0 : i32
    %dma_wait3A_26 = tpu.memref_slice %arg4[%dma_wait3A, %dma_wait3A_25, %mul3A_2] : memref<50x32x16384xf32, #tpu.memory_space<hbm>> -> memref<1x32x256xf32, #tpu.memory_space<hbm>>
    %dma_wait3A_27 = tpu.memref_squeeze %dma_wait3A_26 : memref<1x32x256xf32, #tpu.memory_space<hbm>> -> memref<32x256xf32, #tpu.memory_space<hbm>>
    %dma_wait3A_28 = arith.constant 0 : i32
    %dma_wait3A_29 = tpu.memref_slice %arg4[%dma_wait3A, %dma_wait3A_28, %mul3A_2] : memref<50x32x16384xf32, #tpu.memory_space<hbm>> -> memref<1x32x256xf32, #tpu.memory_space<hbm>>
    %dma_wait3A_30 = tpu.memref_squeeze %dma_wait3A_29 : memref<1x32x256xf32, #tpu.memory_space<hbm>> -> memref<32x256xf32, #tpu.memory_space<hbm>>
    tpu.wait_dma2 semaphore(%arg15 : memref<!tpu.dma_semaphore, #tpu.memory_space<semaphore_mem>>) src(%arg12 : memref<32x256xf32, #tpu.memory_space<vmem>>) dst(%dma_wait3A_30 : memref<32x256xf32, #tpu.memory_space<hbm>>)
    %dma_wait3A_31 = arith.constant 0 : i32
    %dma_wait3A_32 = arith.constant 0 : i32
    %dma_wait3A_33 = tpu.memref_slice %arg4[%dma_wait3A_31, %dma_wait3A_32, %mul3A_2] : memref<50x32x16384xf32, #tpu.memory_space<hbm>> -> memref<1x32x256xf32, #tpu.memory_space<hbm>>
    %dma_wait3A_34 = tpu.memref_squeeze %dma_wait3A_33 : memref<1x32x256xf32, #tpu.memory_space<hbm>> -> memref<32x256xf32, #tpu.memory_space<hbm>>
    %dma_wait3A_35 = arith.constant 0 : i32
    %dma_wait3A_36 = tpu.memref_slice %arg4[%dma_wait3A_31, %dma_wait3A_35, %mul3A_2] : memref<50x32x16384xf32, #tpu.memory_space<hbm>> -> memref<1x32x256xf32, #tpu.memory_space<hbm>>
    %dma_wait3A_37 = tpu.memref_squeeze %dma_wait3A_36 : memref<1x32x256xf32, #tpu.memory_space<hbm>> -> memref<32x256xf32, #tpu.memory_space<hbm>>
    tpu.wait_dma2 semaphore(%arg15 : memref<!tpu.dma_semaphore, #tpu.memory_space<semaphore_mem>>) src(%arg13 : memref<32x256xf32, #tpu.memory_space<vmem>>) dst(%dma_wait3A_37 : memref<32x256xf32, #tpu.memory_space<hbm>>)
    return
  }
}

</mosaic_0001>

<sc_bundles>
// kernel: kernel.3.cloned.1.call-start
scs
__scs_entry_jumppad:
0x0: {  	(pc) =	sbr.rel $0x88, $3  }
0x1: {  	(tag) =	ssettag $0x0;
	lr =	simm.s32 $0x1  }
0x2: {  	[smem:$0x3F9F] =	sst lr;
	_ =	strace $0xD0000000  }
0x3: {  	_ = 	snop  }
0x4: {  	_ = 	snop  }
0x5: {  	_ = 	snop  }
0x6: {  	_ = 	snop  }
0x7: {  	_ = 	snop  }
__scs_overlays_trampoline_lowered:
0x8: {  	[smem:$0x3FAE] =	sst s0  }
0x9: {  	[smem:$0x3FAF] =	sst s1  }
0xa: {  	[smem:$0x3FB0] =	sst s2  }
0xb: {  	[smem:$0x3FB1] =	sst s3  }
0xc: {  	[smem:$0x3FB2] =	sst s4  }
0xd: {  	[smem:$0x3FB3] =	sst s5  }
0xe: {  	[smem:$0x3FB4] =	sst s6  }
0xf: {  	[smem:$0x3FB5] =	sst s7  }
0x10: {  	[smem:$0x3FB6] =	sst s8  }
0x11: {  	[smem:$0x3FB7] =	sst s9;
	s0 =	simm.s32 @!p0 $0x0  }
0x12: {  	s1 =	sld [smem:$0x3F9D];
	s0 =	simm.s32 @p0 $0x1  }
0x13: {  	[smem:$0x3FB8] =	sst s0;
	s0 =	simm.s32 @!p1 $0x0  }
0x14: {  	s2 =	sld [smem:$0x3F9C];
	s0 =	simm.s32 @p1 $0x1  }
0x15: {  	[smem:$0x3FB9] =	sst s0;
	s0 =	simm.s32 @!p2 $0x0  }
0x16: {  	s3 =	sld [smem:$0x3FDB];
	s0 =	simm.s32 @p2 $0x1  }
0x17: {  	s4 =	simm.s32 $0x1BF5;
	[smem:$0x3FBB] =	sst s0  }
0x18: {  	s0 =	sld [smem:$0x3F9E];
	_ =	swait.ge [sflag:s4], $0x0  }
0x19: {  	s7 =	sld [smem:$0x3F9F]  }
0x1a: {  	s8 =	sadd.s32 $0xFFFFE003, lr  }
0x1b: {  	s9 =	sadd.s32 $0xFFFFFEF7, lr;
	s5 =	simm.s32 $0xFFFFFFFF;
	p2 =	slt.u32 s8, $0xFFFFF086  }
0x1c: {  	p1 =	slt.u32 s9, $0xF7A;
	s5 =	simm.s32 @!p2 $0x0  }
0x1d: {  	s5 =	simm.s32 @p1 $0x1;
	p0 =	seq.s32 s7, s2  }
0x1e: {  	s7 =	smul.u32 @!p0 $0xF7A, s2;
	p2 =	seq.s32 @!p0 s5, $0x0  }
0x1f: {  	s9 =	smul.u32 $0xF7A, s1;
	s8 =	simm.s32 @!p0 $0x1BF5;
	p2 =	por !p2, p0  }
0x20: {  	[sflag:s8] =	ssyncset.s32 @!p0 $0xFFFFF086;
	s6 =	sadd.s32 @!p0 s3, s7;
	s7 =	simm.s32 @!p0 $0x108  }
0x21: {  	s3 =	sadd.s32 s3, s9;
	s6 =	sadd.s32 @!p0 $0x88, s6;
	s7 =	simm.s32 @p2 $0x1082  }
0x22: {  	[simem:s7], [sflag:s8] =	dma.local @!p0 [hbm:s6], $0xF7A  }
0x23: {  	s9 =	sor.u32 $0xD0000000, s2;
	s6 =	simm.s32 $0x108;
	_ =	swait.ge @!p0 [sflag:s8], $0x0  }
0x24: {  	s3 =	sadd.s32 $0x88, s3;
	s6 =	simm.s32 @!p1 $0x1082;
	[sflag:s4] =	ssyncset.s32 $0xFFFFF086  }
0x25: {  	[simem:s6], [sflag:s4] =	dma.local [hbm:s3], $0xF7A  }
0x26: {  	[smem:$0x3F9F] =	sst s1;
	(tag) =	ssettag s2;
	_ =	strace s9  }
0x27: {  	s1 =	sld [smem:$0x3FAF]  }
0x28: {  	s2 =	sld [smem:$0x3FB0]  }
0x29: {  	s4 =	sld [smem:$0x3FB2]  }
0x2a: {  	p0 =	seq.s32 s5, $0x0;
	s5 =	sld [smem:$0x3FB3]  }
0x2b: {  	s6 =	sld [smem:$0x3FB4]  }
0x2c: {  	s7 =	sld [smem:$0x3FB5]  }
0x2d: {  	s3 =	simm.s32 $0x108;
	s8 =	sld [smem:$0x3FB6]  }
0x2e: {  	s3 =	simm.s32 @!p0 $0x1082;
	s9 =	sld [smem:$0x3FB7]  }
0x2f: {  	lr =	sadd.s32 s0, s3;
	s0 =	sld [smem:$0x3FAE]  }
0x30: {  	s3 =	sld [smem:$0x3FB1]  }
0x31: {  	[smem:$0x3FBA] =	sst s10  }
0x32: {  	s10 =	sld [smem:$0x3FB8];
	_ =	sdelay $0x3  }
0x33: {  	p0 =	seq.s32 s10, $0x1;
	s10 =	sld [smem:$0x3FBA];
	_ =	sdelay $0x3  }
0x34: {  	[smem:$0x3FBA] =	sst s10  }
0x35: {  	s10 =	sld [smem:$0x3FB9];
	_ =	sdelay $0x3  }
0x36: {  	p1 =	seq.s32 s10, $0x1;
	s10 =	sld [smem:$0x3FBA];
	_ =	sdelay $0x3  }
0x37: {  	[smem:$0x3FBA] =	sst s10  }
0x38: {  	s10 =	sld [smem:$0x3FBB]  }
0x39: {  	_ = 	snop;
	(pc) =	sbr.ind lr, $3  }
0x3a: {  	_ = 	snop  }
0x3b: {  	_ = 	snop  }
0x3c: {  	p2 =	seq.s32 s10, $0x1;
	s10 =	sld [smem:$0x3FBA]  }
0x3d: {  	_ =	shalt  }
0x3e: {  	_ =	shalt  }
0x3f: {  	_ =	shalt  }
0x40: {  	_ =	shalt  }
0x41: {  	_ =	shalt  }
0x42: {  	_ =	shalt  }
0x43: {  	_ =	shalt  }
0x44: {  	_ =	shalt  }
0x45: {  	_ =	shalt  }
0x46: {  	_ =	shalt  }
0x47: {  	_ =	shalt  }
0x48: {  	_ =	shalt  }
0x49: {  	_ =	shalt  }
0x4a: {  	_ =	shalt  }
0x4b: {  	_ =	shalt  }
0x4c: {  	_ =	shalt  }
0x4d: {  	_ =	shalt  }
0x4e: {  	_ =	shalt  }
0x4f: {  	_ =	shalt  }
0x50: {  	_ =	shalt  }
0x51: {  	_ =	shalt  }
0x52: {  	_ =	shalt  }
0x53: {  	_ =	shalt  }
0x54: {  	_ =	shalt  }
0x55: {  	_ =	shalt  }
0x56: {  	_ =	shalt  }
0x57: {  	_ =	shalt  }
0x58: {  	_ =	shalt  }
0x59: {  	_ =	shalt  }
0x5a: {  	_ =	shalt  }
0x5b: {  	_ =	shalt  }
0x5c: {  	_ =	shalt  }
0x5d: {  	_ =	shalt  }
0x5e: {  	_ =	shalt  }
0x5f: {  	_ =	shalt  }
0x60: {  	_ =	shalt  }
0x61: {  	_ =	shalt  }
0x62: {  	_ =	shalt  }
0x63: {  	_ =	shalt  }
0x64: {  	_ =	shalt  }
0x65: {  	_ =	shalt  }
0x66: {  	_ =	shalt  }
0x67: {  	_ =	shalt  }
0x68: {  	_ =	shalt  }
0x69: {  	_ =	shalt  }
0x6a: {  	_ =	shalt  }
0x6b: {  	_ =	shalt  }
0x6c: {  	_ =	shalt  }
0x6d: {  	_ =	shalt  }
0x6e: {  	_ =	shalt  }
0x6f: {  	_ =	shalt  }
0x70: {  	_ =	shalt  }
0x71: {  	_ =	shalt  }
0x72: {  	_ =	shalt  }
0x73: {  	_ =	shalt  }
0x74: {  	_ =	shalt  }
0x75: {  	_ =	shalt  }
0x76: {  	_ =	shalt  }
0x77: {  	_ =	shalt  }
0x78: {  	_ =	shalt  }
0x79: {  	_ =	shalt  }
0x7a: {  	_ =	shalt  }
0x7b: {  	_ =	shalt  }
0x7c: {  	_ =	shalt  }
0x7d: {  	_ =	shalt  }
0x7e: {  	_ =	shalt  }
0x7f: {  	_ =	shalt  }
0x80: {  	_ =	shalt  }
0x81: {  	_ =	shalt  }
0x82: {  	_ =	shalt  }
0x83: {  	_ =	shalt  }
0x84: {  	_ =	shalt  }
0x85: {  	_ =	shalt  }
0x86: {  	_ =	shalt  }
0x87: {  	_ =	shalt  }
.Lfunc_end0:
.L_simem_size_0:
called_computation_lowered:
.L_overlay_start_0:
0x88: {  	s2 =	sld [smem:$0x3FD9]  }
0x89: {  	s3 =	sld [smem:$0x3FFE];
	_ =	sdelay $0x1  }
0x8a: {  	s1 =	srdreg.scid  }
0x8b: {  	s0 =	sand.u32 $0x1, s1  }
0x8c: {  	s17 =	sshll.u32 s0, $0xA;
	s2 =	sadd.s32 s3, s2  }
0x8d: {  	s2 =	sadd.s32 s2, s17  }
0x8e: {  	[smem:$0x3FC6] =	sst s2  }
0x8f: {  	_ = 	snop  }
0x90: {  	s2 =	sld [smem:$0x3FC9]  }
0x91: {  	s18 =	sld [smem:$0x3FD0];
	(tm) =	ssettm $0x1  }
0x92: {  	s4 =	sld [smem:$0x3FFB];
	_ =	sdelay $0x3  }
0x93: {  	_ =	strace s4  }
0x94: {  	s4 =	sld [smem:$0x3FFC];
	_ =	sdelay $0x3  }
0x95: {  	_ =	strace s4  }
0x96: {  	s4 =	sld [smem:$0x3FFD];
	_ =	sdelay $0x3  }
0x97: {  	_ =	strace s4  }
0x98: {  	_ =	strace $0x8FFFFFFF  }
0x99: {  	s19 =	sld [smem:$0x3FDB];
	_ =	sdelay $0x1  }
0x9a: {  	s5 =	simm.s32 $_scs_section_size  }
0x9b: {  	s6 =	simm.s32 $_size__tile_overlayer_lowered;
	s7 =	simm.s32 $_tile_overlayer_lowered  }
0x9c: {  	s22 =	simm.s32 $0x1BFF;
	s21 =	sshll.u32 s7, $0x1;
	s4 =	sadd.s32 s5, s19  }
0x9d: {  	s8 =	simm.s32 $0x0;
	s20 =	sshll.u32 s6, $0x1;
	s6 =	sadd.s32 s21, s4  }
0x9e: {  	[timem:s8], [sflag:s22] =	dma.local [hbm:s6], s20  }
0x9f: {  	_ =	swait.ge [sflag:s22], s20  }
0xa0: {  	s5 =	ssub.s32 $0x0, s20;
	[sflag:s22] =	ssyncset.done $0x0  }
0xa1: {  	[sflag:s22] =	ssyncadd.s32 s5;
	_ =	sdelay $0x1  }
0xa2: {  	s23 =	simm.s32 $0x1B8B  }
0xa3: {  	_ =	swait.ge [sflag:s23], $0x1  }
0xa4: {  	[sflag:s23] =	ssyncset.done $0x0  }
0xa5: {  	s25 =	simm.s32 $0x1B8E;
	s24 =	sld [smem:$0x3FFE];
	[sflag:s23] =	ssyncadd.s32 $0xFFFFFFFF  }
0xa6: {  	s26 =	simm.s32 $execute0_lowered;
	[smem:$0x3FD2] =	sst s25  }
0xa7: {  	s6 =	sshll.u32 s26, $0x1;
	_ =	strace $0x80000046;
	[dreg:$0x1] =	wrdreg $0xFFFFFFFF  }
0xa8: {  	s28 =	simm.s32 $_size_execute0_lowered;
	s4 =	sadd.s32 s4, s6;
	[dreg:$0x0] =	wrdreg $0x0  }
0xa9: {  	s6 =	sshll.u32 s28, $0x1;
	[dreg:$0x2] =	wrdreg s4  }
0xaa: {  	[dreg:$0x3] =	wrdreg s6  }
0xab: {  	[dreg:$0x4] =	wrdreg $0xC0  }
0xac: {  	_ =	task [dreg:s8], $0x5FFFF  }
0xad: {  	[dreg:$0x1] =	wrdreg $0xFFFFFFFF  }
0xae: {  	[dreg:$0x0] =	wrdreg $0x60  }
0xaf: {  	[dreg:$0x2] =	wrdreg s24  }
0xb0: {  	[dreg:$0x3] =	wrdreg s2  }
0xb1: {  	[dreg:$0x4] =	wrdreg s18  }
0xb2: {  	[dreg:$0x5] =	wrdreg $0x9  }
0xb3: {  	_ =	task.clear_ibuf [dreg:s8], $0x6FFFF;
	_ =	strace $0x90000046  }
0xb4: {  	s29 =	simm.s32 $0x9;
	_ =	strace $0x80000048  }
0xb5: {  	_ =	swait.ge [sflag:s29], $0x1  }
0xb6: {  	[sflag:s29] =	ssyncadd.s32 $0xFFFFFFFF  }
0xb7: {  	_ =	strace $0x90000048  }
0xb8: {  	_ =	sfence  }
0xb9: {  	s30 =	sld [smem:$0x0];
	_ =	sdelay $0x2  }
0xba: {  	s31 =	sshll.u32 s1, $0xD;
	s1 =	sshrl.u32 s1, $0x2  }
0xbb: {  	s3 =	sand.u32 $0x4000, s31;
	s1 =	sadd.s32 s1, s30  }
0xbc: {  	s0 =	sor.u32 s3, s0;
	s1 =	sshll.u32 s1, $0x11  }
0xbd: {  	s0 =	sor.u32 s1, s0  }
0xbe: {  	s0 =	sadd.s32 $0x8F2B, s0  }
0xbf: {  	[sflag:s0] =	ssyncadd.remote.s32 $0x1  }
0xc0: {  	_ =	sfence.sel $0xFFFF  }
0xc1: {  	[dreg:$0x0] =	wrdreg $0xFFFFFFFF;
	(pc) =	sbr.abs _section_cstart, $3  }
0xc2: {  	[dreg:$0x1] =	wrdreg $0xFFFFFFFF  }
0xc3: {  	_ =	task.clear_ibuf [dreg:s8], $0x2FFFF;
	_ =	strace $0x9FFFFFFF  }
0xc4: {  	(tm) =	ssettm $0x7FFFFFFF  }
0xc5: {  	_ =	shalt  }
tec
execute0_lowered:
.L_overlay_start_1:
0x0: {  	(tag) =	ssettag $0x1  }
0x1: {  	s3 =	rddreg [dreg:$0x0]  }
0x2: {  	s5 =	rddreg [dreg:$0x1]  }
0x3: {  	s4 =	rddreg [dreg:$0x2];
	s6 =	srdreg.scid;
	s2 =	simm.s32 $0x0  }
0x4: {  	s0 =	stileid.u32;
	s9 =	simm.s32 $0x20000;
	s10 =	simm.s32 $0x3  }
0x5: {  	s11 =	simm.s32 $0x100;
	s12 =	simm.s32 $0x7000;
	s13 =	simm.s32 $0x7400  }
0x6: {  	s14 =	simm.s32 $0x7100;
	s15 =	simm.s32 $0xF400;
	s16 =	simm.s32 $0x1  }
0x7: {  	s17 =	simm.s32 $0x800;
	s18 =	simm.s32 $0x17400;
	s19 =	simm.s32 $0x2  }
0x8: {  	s20 =	simm.s32 $0x19400;
	s21 =	simm.s32 $0x0;
	s6 =	sand.u32 $0x1, s6  }
.Ltmp0:
0x9: {  	[smem:$0x7FF] =	sst s2;
	s7 =	sshll.u32 s0, $0xA;
	(pc) =	sbr.rel .LBB2_1-.Ltmp0, $4  }
0xa: {  	s3 =	sadd.s32 $0xF42800, s3;
	s8 =	sshll.u32 s6, $0x9;
	s6 =	ssub.s32 $0x2, s6  }
0xb: {  	_ =	strace $0x80000047;
	s7 =	sor.u32 s8, s7;
	s31 =	sshrl.u32 s6, $0x1  }
0xc: {  	v0 =	vlaneseq.u32;
	s4 =	sadd.s32 s4, s7;
	s8 =	ssub.s32 s6, s31;
	s5 =	sadd.s32 s5, s7  }
0xd: {  	v0 =	vmul.u32 $0x80, v0;
	s6 =	sadd.s32 $0x100, s4;
	s7 =	smax.u32 s8, $0x1;
	s8 =	simm.s32 $0x1000  }
.LBB2_16:
0xe: {  	s21 =	sadd.s32 $0x1, s21  }
0xf: {  	_ =	swait.ge [sflag:s19], $0x2000;
	p0 =	sne.s32 s21, s7  }
.Ltmp1:
0x10: {  	[sflag:s19] =	ssyncset.done $0x0;
	(pc) =	sbr.rel @!p0 .LBB2_17-.Ltmp1, $4  }
0x11: {  	[sflag:s19] =	ssyncadd.s32 $0xFFFFE000  }
0x12: {  	_ =	swait.ge [sflag:s19], $0x2000  }
0x13: {  	[sflag:s19] =	ssyncset.done $0x0  }
0x14: {  	[sflag:s19] =	ssyncadd.s32 $0xFFFFE000  }
.LBB2_1:
0x15: {  	[tilespmem:s2], [sflag:$0x3] =	stream.strided.gather [hbm4b:s5+s8], $0x7000, s9, s8, $0x38;
	[tilespmem:$0x1B400] =	vst v63  }
0x16: {  	_ =	swait.ge [sflag:s10], $0x7000  }
0x17: {  	[sflag:s10] =	ssyncset.done $0x0  }
0x18: {  	[sflag:s10] =	ssyncadd.s32 $0xFFFF9000  }
0x19: {  	v1 =	vld [tilespmem:$0x0];
	_ =	sdelay $0x1  }
0x1a: {  	v2 =	vld [tilespmem:$0x10];
	_ =	sdelay $0x1  }
0x1b: {  	v3 =	vld [tilespmem:$0x20]  }
0x1c: {  	v4 =	vshra.s32 v1, $0x2;
	v1 =	vshll.u32 v1, $0x5  }
0x1d: {  	v54 =	vld [tilespmem:$0x30];
	[tilespmem:$0x7000] =	vst v4;
	v1 =	vand.u32 $0x60, v1  }
0x1e: {  	[tilespmem:$0x7200] =	vst v1;
	v1 =	vshra.s32 v2, $0x2;
	v2 =	vshll.u32 v2, $0x5  }
0x1f: {  	[tilespmem:$0x7010] =	vst v1;
	v1 =	vand.u32 $0x60, v2;
	v2 =	vld [tilespmem:$0x40]  }
0x20: {  	[tilespmem:$0x7210] =	vst v1;
	v1 =	vshra.s32 v3, $0x2;
	v3 =	vshll.u32 v3, $0x5  }
0x21: {  	[tilespmem:$0x7020] =	vst v1;
	v1 =	vand.u32 $0x60, v3;
	v3 =	vld [tilespmem:$0x50]  }
0x22: {  	v4 =	vshll.u32 v54, $0x5;
	[tilespmem:$0x7220] =	vst v1;
	v1 =	vshra.s32 v54, $0x2  }
0x23: {  	v55 =	vld [tilespmem:$0x60];
	[tilespmem:$0x7030] =	vst v1;
	v1 =	vand.u32 $0x60, v4  }
0x24: {  	[tilespmem:$0x7230] =	vst v1;
	v1 =	vshra.s32 v2, $0x2;
	v2 =	vshll.u32 v2, $0x5  }
0x25: {  	[tilespmem:$0x7040] =	vst v1;
	v1 =	vand.u32 $0x60, v2;
	v2 =	vld [tilespmem:$0x70]  }
0x26: {  	[tilespmem:$0x7240] =	vst v1;
	v1 =	vshra.s32 v3, $0x2;
	v3 =	vshll.u32 v3, $0x5  }
0x27: {  	[tilespmem:$0x7050] =	vst v1;
	v1 =	vand.u32 $0x60, v3;
	v3 =	vld [tilespmem:$0x400]  }
0x28: {  	v4 =	vshll.u32 v55, $0x5;
	[tilespmem:$0x7250] =	vst v1;
	v1 =	vshra.s32 v55, $0x2  }
0x29: {  	v56 =	vld [tilespmem:$0x410];
	[tilespmem:$0x7060] =	vst v1;
	v1 =	vand.u32 $0x60, v4  }
0x2a: {  	[tilespmem:$0x7260] =	vst v1;
	v1 =	vshra.s32 v2, $0x2;
	v2 =	vshll.u32 v2, $0x5  }
0x2b: {  	[tilespmem:$0x7070] =	vst v1;
	v1 =	vand.u32 $0x60, v2;
	v2 =	vld [tilespmem:$0x420]  }
0x2c: {  	[tilespmem:$0x7270] =	vst v1;
	v1 =	vshra.s32 v3, $0x2;
	v3 =	vshll.u32 v3, $0x5  }
0x2d: {  	[tilespmem:$0x7080] =	vst v1;
	v1 =	vand.u32 $0x60, v3;
	v3 =	vld [tilespmem:$0x430]  }
0x2e: {  	v4 =	vshll.u32 v56, $0x5;
	[tilespmem:$0x7280] =	vst v1;
	v1 =	vshra.s32 v56, $0x2  }
0x2f: {  	v57 =	vld [tilespmem:$0x440];
	[tilespmem:$0x7090] =	vst v1;
	v1 =	vand.u32 $0x60, v4  }
0x30: {  	[tilespmem:$0x7290] =	vst v1;
	v1 =	vshra.s32 v2, $0x2;
	v2 =	vshll.u32 v2, $0x5  }
0x31: {  	[tilespmem:$0x70A0] =	vst v1;
	v1 =	vand.u32 $0x60, v2;
	v2 =	vld [tilespmem:$0x450]  }
0x32: {  	[tilespmem:$0x72A0] =	vst v1;
	v1 =	vshra.s32 v3, $0x2;
	v3 =	vshll.u32 v3, $0x5  }
0x33: {  	[tilespmem:$0x70B0] =	vst v1;
	v1 =	vand.u32 $0x60, v3;
	v3 =	vld [tilespmem:$0x460]  }
0x34: {  	v4 =	vshll.u32 v57, $0x5;
	[tilespmem:$0x72B0] =	vst v1;
	v1 =	vshra.s32 v57, $0x2  }
0x35: {  	v58 =	vld [tilespmem:$0x470];
	[tilespmem:$0x70C0] =	vst v1;
	v1 =	vand.u32 $0x60, v4  }
0x36: {  	[tilespmem:$0x72C0] =	vst v1;
	v1 =	vshra.s32 v2, $0x2;
	v2 =	vshll.u32 v2, $0x5  }
0x37: {  	[tilespmem:$0x70D0] =	vst v1;
	v1 =	vand.u32 $0x60, v2  }
0x38: {  	[tilespmem:$0x72D0] =	vst v1;
	v1 =	vshra.s32 v3, $0x2;
	v2 =	vshll.u32 v3, $0x5  }
0x39: {  	[tilespmem:$0x70E0] =	vst v1;
	v1 =	vand.u32 $0x60, v2  }
0x3a: {  	v2 =	vshll.u32 v58, $0x5;
	[tilespmem:$0x72E0] =	vst v1;
	v1 =	vshra.s32 v58, $0x2  }
0x3b: {  	[tilespmem:$0x70F0] =	vst v1;
	v1 =	vand.u32 $0x60, v2  }
0x3c: {  	[tilespmem:$0x72F0] =	vst v1  }
0x3d: {  	[tilespmem:s13], [sflag:$0x1] =	stream.indirect.gather [hbm4b:s3+s11], $0x80, s12, s11, $0xb8;
	[tilespmem:$0x1B400] =	vst v63  }
0x3e: {  	v1 =	vld [tilespmem:$0x800];
	_ =	sdelay $0x1  }
0x3f: {  	v2 =	vld [tilespmem:$0x810];
	_ =	sdelay $0x1  }
0x40: {  	v3 =	vld [tilespmem:$0x820]  }
0x41: {  	v59 =	vshra.s32 v1, $0x2;
	v1 =	vshll.u32 v1, $0x5  }
0x42: {  	v60 =	vld [tilespmem:$0x830];
	[tilespmem:$0x7100] =	vst v59;
	v1 =	vand.u32 $0x60, v1  }
0x43: {  	[tilespmem:$0x7300] =	vst v1;
	v1 =	vshra.s32 v2, $0x2;
	v2 =	vshll.u32 v2, $0x5  }
0x44: {  	[tilespmem:$0x7110] =	vst v1;
	v1 =	vand.u32 $0x60, v2;
	v2 =	vld [tilespmem:$0x840]  }
0x45: {  	[tilespmem:$0x7310] =	vst v1;
	v1 =	vshra.s32 v3, $0x2;
	v3 =	vshll.u32 v3, $0x5  }
0x46: {  	[tilespmem:$0x7120] =	vst v1;
	v1 =	vand.u32 $0x60, v3;
	v3 =	vld [tilespmem:$0x850]  }
0x47: {  	v4 =	vshll.u32 v60, $0x5;
	[tilespmem:$0x7320] =	vst v1;
	v1 =	vshra.s32 v60, $0x2  }
0x48: {  	v61 =	vld [tilespmem:$0x860];
	[tilespmem:$0x7130] =	vst v1;
	v1 =	vand.u32 $0x60, v4  }
0x49: {  	[tilespmem:$0x7330] =	vst v1;
	v1 =	vshra.s32 v2, $0x2;
	v2 =	vshll.u32 v2, $0x5  }
0x4a: {  	[tilespmem:$0x7140] =	vst v1;
	v1 =	vand.u32 $0x60, v2;
	v2 =	vld [tilespmem:$0x870]  }
0x4b: {  	[tilespmem:$0x7340] =	vst v1;
	v1 =	vshra.s32 v3, $0x2;
	v3 =	vshll.u32 v3, $0x5  }
0x4c: {  	[tilespmem:$0x7150] =	vst v1;
	v1 =	vand.u32 $0x60, v3;
	v3 =	vld [tilespmem:$0xC00]  }
0x4d: {  	v4 =	vshll.u32 v61, $0x5;
	[tilespmem:$0x7350] =	vst v1;
	v1 =	vshra.s32 v61, $0x2  }
0x4e: {  	v62 =	vld [tilespmem:$0xC10];
	[tilespmem:$0x7160] =	vst v1;
	v1 =	vand.u32 $0x60, v4  }
0x4f: {  	[tilespmem:$0x7360] =	vst v1;
	v1 =	vshra.s32 v2, $0x2;
	v2 =	vshll.u32 v2, $0x5  }
0x50: {  	[tilespmem:$0x7170] =	vst v1;
	v1 =	vand.u32 $0x60, v2;
	v2 =	vld [tilespmem:$0xC20]  }
0x51: {  	[tilespmem:$0x7370] =	vst v1;
	v1 =	vshra.s32 v3, $0x2;
	v3 =	vshll.u32 v3, $0x5  }
0x52: {  	[tilespmem:$0x7180] =	vst v1;
	v1 =	vand.u32 $0x60, v3;
	v3 =	vld [tilespmem:$0xC30]  }
0x53: {  	v4 =	vshll.u32 v62, $0x5;
	[tilespmem:$0x7380] =	vst v1;
	v1 =	vshra.s32 v62, $0x2  }
0x54: {  	v63 =	vld [tilespmem:$0xC40];
	[tilespmem:$0x7190] =	vst v1;
	v1 =	vand.u32 $0x60, v4  }
0x55: {  	[tilespmem:$0x7390] =	vst v1;
	v1 =	vshra.s32 v2, $0x2;
	v2 =	vshll.u32 v2, $0x5  }
0x56: {  	[tilespmem:$0x71A0] =	vst v1;
	v1 =	vand.u32 $0x60, v2;
	v2 =	vld [tilespmem:$0xC50]  }
0x57: {  	[tilespmem:$0x73A0] =	vst v1;
	v1 =	vshra.s32 v3, $0x2;
	v3 =	vshll.u32 v3, $0x5  }
0x58: {  	[tilespmem:$0x71B0] =	vst v1;
	v1 =	vand.u32 $0x60, v3;
	v3 =	vld [tilespmem:$0xC60]  }
0x59: {  	v4 =	vshll.u32 v63, $0x5;
	[tilespmem:$0x73B0] =	vst v1;
	v1 =	vshra.s32 v63, $0x2  }
0x5a: {  	[tilespmem:$0x71C0] =	vst v1;
	v1 =	vand.u32 $0x60, v4  }
0x5b: {  	[tilespmem:$0x73C0] =	vst v1;
	v1 =	vshra.s32 v2, $0x2;
	v2 =	vshll.u32 v2, $0x5  }
0x5c: {  	[tilespmem:$0x71D0] =	vst v1;
	v1 =	vand.u32 $0x60, v2  }
0x5d: {  	[tilespmem:$0x73D0] =	vst v1;
	v1 =	vshra.s32 v3, $0x2;
	v2 =	vshll.u32 v3, $0x5  }
0x5e: {  	[tilespmem:$0x71E0] =	vst v1;
	v1 =	vand.u32 $0x60, v2  }
0x5f: {  	s23 =	simm.s32 $0xC70;
	s22 =	simm.s32 $0x0;
	[tilespmem:$0x73E0] =	vst v1  }
.LBB2_2:
0x60: {  	v1 =	vld [tilespmem:s23+$0x0];
	_ =	sdelay $0x4  }
0x61: {  	v2 =	vshra.s32 v1, $0x2;
	v1 =	vshll.u32 v1, $0x5  }
0x62: {  	[tilespmem:$0x71F0] =	vst v2;
	v1 =	vand.u32 $0x60, v1  }
0x63: {  	[tilespmem:$0x73F0] =	vst v1  }
0x64: {  	[tilespmem:s15], [sflag:$0x1] =	stream.indirect.gather [hbm4b:s3+s11], $0x80, s14, s11, $0xb8;
	[tilespmem:$0x1B400] =	vst v63  }
0x65: {  	_ =	swait.ge [sflag:s16], $0x8000  }
0x66: {  	p1 =	seq.s32 s22, $0x0;
	[sflag:s16] =	ssyncset.done $0x0  }
0x67: {  	s23 =	simm.s32 @!p1 $0x2;
	[sflag:s16] =	ssyncadd.s32 $0xFFFF8000  }
0x68: {  	s24 =	sshll.u32 s22, $0x1;
	_ =	swait.ge @!p1 [sflag:s23], $0x2000  }
0x69: {  	s25 =	simm.s32 $0x0;
	s26 =	simm.s32 $0x0;
	[sflag:s23] =	ssyncset.done @!p1 $0x0  }
0x6a: {  	s28 =	simm.s32 $0x0;
	[sflag:s23] =	ssyncadd.s32 @!p1 $0xFFFFE000;
	s23 =	simm.s32 $0x0  }
.LBB2_3:
0x6b: {  	s29 =	sshll.u32 s28, $0x4  }
0x6c: {  	v2 =	vld [tilespmem:s29+$0x7200];
	_ =	sdelay $0x1  }
0x6d: {  	v1 =	vmov s29  }
0x6e: {  	v1 =	vshll.u32 v1, $0x7  }
0x6f: {  	s30 =	simm.s32 $0x2;
	s29 =	simm.s32 $0x1;
	v1 =	vor.u32 v0, v1  }
0x70: {  	s31 =	simm.s32 $0x3;
	v3 =	vadd.s32 s23, v2;
	v4 =	vadd.s32 s29, v2;
	s29 =	simm.s32 $0x4;
	v5 =	vadd.s32 s30, v2  }
0x71: {  	v6 =	vadd.s32 s31, v2;
	s30 =	simm.s32 $0x5;
	v7 =	vadd.s32 s29, v2;
	v8 =	vand.u32 $0x7F, v4  }
0x72: {  	v9 =	vadd.s32 s30, v2;
	v11 =	vand.u32 $0x7F, v5;
	v13 =	vand.u32 $0x7F, v6  }
0x73: {  	s29 =	simm.s32 $0x6;
	s30 =	simm.s32 $0x7;
	v4 =	vand.u32 $0xFFFFFF80, v4;
	v5 =	vand.u32 $0xFFFFFF80, v5;
	v6 =	vand.u32 $0xFFFFFF80, v6  }
0x74: {  	v10 =	vadd.s32 s29, v2;
	v12 =	vadd.s32 s30, v2;
	v14 =	vand.u32 $0x7F, v7  }
0x75: {  	v4 =	vadd.s32 v1, v4;
	v5 =	vadd.s32 v1, v5;
	v15 =	vand.u32 $0xFFFFFF80, v12  }
0x76: {  	v12 =	vand.u32 $0x7F, v12;
	v4 =	vor.u32 v8, v4;
	v15 =	vadd.s32 v1, v15  }
0x77: {  	v8 =	vor.u32 v11, v5;
	v5 =	vadd.s32 v1, v6;
	v12 =	vor.u32 v12, v15  }
0x78: {  	v6 =	vand.u32 $0xFFFFFF80, v7;
	v7 =	vand.u32 $0x7F, v9;
	v11 =	vor.u32 v13, v5  }
0x79: {  	v5 =	vadd.s32 v1, v6;
	v6 =	vand.u32 $0xFFFFFF80, v9;
	v9 =	vand.u32 $0xFFFFFF80, v3  }
0x7a: {  	v13 =	vor.u32 v14, v5;
	v5 =	vadd.s32 v1, v6;
	v6 =	vand.u32 $0xFFFFFF80, v10  }
0x7b: {  	s29 =	sshll.u32 s26, $0x2;
	s30 =	sand.u32 $0x7, s25;
	v20 =	vor.u32 v7, v5;
	v7 =	vand.u32 $0x7F, v10;
	v10 =	vadd.s32 v1, v6;
	v6 =	vld.idx.msk [tilespmem:v4+s13+$0x0], $0xffff  }
0x7c: {  	s1 =	simm.s32 $0xD;
	s29 =	sand.u32 $0xFFFFF000, s29;
	s30 =	sshll.u32 s30, $0x6;
	v14 =	vand.u32 $0x7F, v3;
	v4 =	vadd.s32 v1, v9;
	v5 =	vld.idx.msk [tilespmem:v12+s13+$0x0], $0xffff;
	v12 =	vor.u32 v7, v10  }
0x7d: {  	s31 =	simm.s32 $0x8;
	s29 =	sor.u32 s30, s29;
	s30 =	simm.s32 $0x9;
	v9 =	vld.idx.msk [tilespmem:v11+s13+$0x0], $0xffff;
	v10 =	vor.u32 v14, v4  }
0x7e: {  	v3 =	vadd.s32 s31, v2;
	v17 =	vadd.s32 s30, v2;
	s30 =	simm.s32 $0xA;
	s31 =	simm.s32 $0xB;
	v15 =	vadd.s32 s1, v2;
	v7 =	vld.idx.msk [tilespmem:v8+s13+$0x0], $0xffff  }
0x7f: {  	s0 =	simm.s32 $0xC;
	s29 =	sshrl.u32 s29, $0x2;
	v18 =	vadd.s32 s30, v2;
	v16 =	vadd.s32 s31, v2;
	s30 =	simm.s32 $0xE;
	v19 =	vand.u32 $0x7F, v17;
	v11 =	vld.idx.msk [tilespmem:v13+s13+$0x0], $0xffff  }
0x80: {  	s29 =	sadd.s32 $0x17600, s29;
	s31 =	simm.s32 $0xF;
	v4 =	vand.u32 $0xFFFFFF80, v3;
	v14 =	vadd.s32 s0, v2;
	v8 =	vadd.s32 s30, v2;
	s30 =	simm.s32 $0x10;
	v13 =	vld.idx.msk [tilespmem:v20+s13+$0x0], $0xffff  }
.LBB2_4:
0x81: {  	p0 =	slt.u32 s30, $0x18;
	v20 =	vand.u32 $0x7F, v18;
	v21 =	vand.u32 $0x7F, v16;
	v22 =	vadd.s32 s31, v2;
	v12 =	vld.idx.msk [tilespmem:v12+s13+$0x0], $0xffff;
	[tilespmem:s29+$0x180] =	vst v5  }
0x82: {  	v5 =	vand.u32 $0x7F, v14;
	v23 =	vand.u32 $0x7F, v15;
	v24 =	vand.u32 $0xFFFFFF80, v22;
	v10 =	vld.idx.msk [tilespmem:v10+s13+$0x0], $0xffff;
	[tilespmem:s29+$0xFFFFFE80] =	vst v6  }
0x83: {  	v6 =	vand.u32 $0xFFFFFF80, v17;
	v17 =	vand.u32 $0x7F, v22;
	v22 =	vadd.s32 v1, v24;
	[tilespmem:s29+$0xFFFFFF00] =	vst v7  }
0x84: {  	v6 =	vadd.s32 v1, v6;
	v7 =	vand.u32 $0xFFFFFF80, v18;
	v17 =	vor.u32 v17, v22;
	[tilespmem:s29+$0xFFFFFF80] =	vst v9  }
0x85: {  	v6 =	vor.u32 v19, v6;
	v7 =	vadd.s32 v1, v7;
	v9 =	vand.u32 $0xFFFFFF80, v16;
	[tilespmem:s29+$0x0] =	vst v11  }
0x86: {  	v7 =	vor.u32 v20, v7;
	v9 =	vadd.s32 v1, v9;
	v11 =	vand.u32 $0xFFFFFF80, v14;
	[tilespmem:s29+$0x80] =	vst v13  }
0x87: {  	v9 =	vor.u32 v21, v9;
	v11 =	vadd.s32 v1, v11;
	v13 =	vand.u32 $0xFFFFFF80, v15;
	[tilespmem:s29+$0x100] =	vst v12  }
0x88: {  	v11 =	vor.u32 v5, v11;
	v5 =	vadd.s32 v1, v13;
	v12 =	vand.u32 $0xFFFFFF80, v8;
	[tilespmem:s29+$0xFFFFFE00] =	vst v10  }
0x89: {  	v8 =	vand.u32 $0x7F, v8;
	v13 =	vor.u32 v23, v5;
	v10 =	vadd.s32 v1, v12;
	v5 =	vld.idx.msk [tilespmem:v17+s13+$0x0], $0xffff  }
.Ltmp2:
0x8a: {  	v4 =	vadd.s32 v1, v4;
	v14 =	vand.u32 $0x7F, v3;
	v12 =	vor.u32 v8, v10;
	v6 =	vld.idx.msk [tilespmem:v6+s13+$0x0], $0xffff;
	(pc) =	sbr.rel @p0 .LBB2_4-.Ltmp2, $4  }
0x8b: {  	s0 =	sadd.s32 $0x1, s30;
	v3 =	vadd.s32 s30, v2;
	v10 =	vor.u32 v14, v4;
	v7 =	vld.idx.msk [tilespmem:v7+s13+$0x0], $0xffff  }
0x8c: {  	s31 =	sadd.s32 $0x3, s30;
	s1 =	sadd.s32 $0x4, s30;
	v4 =	vand.u32 $0xFFFFFF80, v3;
	v17 =	vadd.s32 s0, v2;
	s0 =	sadd.s32 $0x2, s30;
	v9 =	vld.idx.msk [tilespmem:v9+s13+$0x0], $0xffff  }
0x8d: {  	v16 =	vadd.s32 s31, v2;
	v14 =	vadd.s32 s1, v2;
	s1 =	sadd.s32 $0x6, s30;
	v18 =	vadd.s32 s0, v2;
	s0 =	sadd.s32 $0x5, s30;
	v11 =	vld.idx.msk [tilespmem:v11+s13+$0x0], $0xffff  }
0x8e: {  	s31 =	sadd.s32 $0x7, s30;
	s29 =	sadd.s32 $0x800, s29;
	v19 =	vand.u32 $0x7F, v17;
	v8 =	vadd.s32 s1, v2;
	s30 =	sadd.s32 $0x8, s30;
	v15 =	vadd.s32 s0, v2;
	v13 =	vld.idx.msk [tilespmem:v13+s13+$0x0], $0xffff  }
0x8f: {  	v2 =	vadd.s32 s31, v2  }
0x90: {  	v20 =	vand.u32 $0x7F, v18;
	v22 =	vand.u32 $0x7F, v16;
	v23 =	vand.u32 $0x7F, v14  }
0x91: {  	v17 =	vand.u32 $0xFFFFFF80, v17;
	v47 =	vand.u32 $0x7F, v15;
	v48 =	vand.u32 $0xFFFFFF80, v18  }
0x92: {  	v49 =	vand.u32 $0xFFFFFF80, v16;
	v51 =	vand.u32 $0xFFFFFF80, v14;
	v17 =	vadd.s32 v1, v17  }
0x93: {  	v21 =	vand.u32 $0xFFFFFF80, v2;
	v18 =	vadd.s32 v1, v48;
	v17 =	vor.u32 v19, v17  }
0x94: {  	v2 =	vand.u32 $0x7F, v2;
	v21 =	vadd.s32 v1, v21;
	v50 =	vor.u32 v20, v18  }
0x95: {  	[tilespmem:s29+$0x180] =	vst v5;
	v12 =	vld.idx.msk [tilespmem:v12+s13+$0x0], $0xffff;
	v53 =	vand.u32 $0xFFFFFF80, v15;
	v16 =	vadd.s32 v1, v49;
	v2 =	vor.u32 v2, v21  }
0x96: {  	[tilespmem:s29+$0xFFFFFE80] =	vst v6;
	v10 =	vld.idx.msk [tilespmem:v10+s13+$0x0], $0xffff;
	v56 =	vand.u32 $0xFFFFFF80, v8;
	v14 =	vadd.s32 v1, v51;
	v52 =	vor.u32 v22, v16  }
0x97: {  	[tilespmem:s29+$0xFFFFFF00] =	vst v7;
	v55 =	vadd.s32 v1, v53;
	v59 =	vadd.s32 v1, v56;
	v54 =	vor.u32 v23, v14  }
0x98: {  	v3 =	vand.u32 $0x7F, v3;
	[tilespmem:s29+$0xFFFFFF80] =	vst v9;
	v57 =	vor.u32 v47, v55;
	v1 =	vadd.s32 v1, v4;
	v60 =	vld.idx.msk [tilespmem:v17+s13+$0x0], $0xffff  }
0x99: {  	v58 =	vand.u32 $0x7F, v8;
	[tilespmem:s29+$0x0] =	vst v11;
	v1 =	vor.u32 v3, v1;
	v3 =	vld.idx.msk [tilespmem:v50+s13+$0x0], $0xffff  }
0x9a: {  	v8 =	vor.u32 v58, v59;
	[tilespmem:s29+$0x80] =	vst v13;
	v2 =	vld.idx.msk [tilespmem:v2+s13+$0x0], $0xffff  }
0x9b: {  	[tilespmem:s29+$0x100] =	vst v12;
	v61 =	vld.idx.msk [tilespmem:v52+s13+$0x0], $0xffff  }
0x9c: {  	s0 =	sadd.s32 $0x800, s29;
	[tilespmem:s29+$0xFFFFFE00] =	vst v10;
	v62 =	vld.idx.msk [tilespmem:v54+s13+$0x0], $0xffff  }
0x9d: {  	v63 =	vld.idx.msk [tilespmem:v57+s13+$0x0], $0xffff;
	[tilespmem:s0+$0xFFFFFE80] =	vst v60  }
0x9e: {  	s28 =	sadd.s32 $0x1, s28;
	v1 =	vld.idx.msk [tilespmem:v1+s13+$0x0], $0xffff;
	[tilespmem:s0+$0xFFFFFF00] =	vst v3  }
0x9f: {  	p0 =	sne.s32 s28, $0x10;
	[tilespmem:s0+$0x180] =	vst v2;
	v2 =	vld.idx.msk [tilespmem:v8+s13+$0x0], $0xffff  }
.Ltmp3:
0xa0: {  	[tilespmem:s0+$0xFFFFFF80] =	vst v61;
	(pc) =	sbr.rel @p0 .LBB2_3-.Ltmp3, $4  }
0xa1: {  	[tilespmem:s0+$0x0] =	vst v62  }
0xa2: {  	[tilespmem:s0+$0x80] =	vst v63  }
0xa3: {  	[tilespmem:s0+$0xFFFFFE00] =	vst v1  }
0xa4: {  	s26 =	sadd.s32 $0x80, s26;
	s25 =	sadd.s32 $0x1, s25;
	[tilespmem:s0+$0x100] =	vst v2  }
0xa5: {  	p0 =	seq.s32 s22, $0x31  }
.Ltmp4:
0xa6: {  	_ = 	snop;
	(pc) =	sbr.rel @!p0 .LBB2_7-.Ltmp4, $4  }
0xa7: {  	_ = 	snop  }
0xa8: {  	s23 =	sshll.u32 s22, $0x10  }
0xa9: {  	s0 =	sadd.s32 s23, s4  }
0xaa: {  	[hbm4b:s0+s17] =	stream.strided.scatter [tilespmem:s18], [sflag:$0x2], $0x2000, s9, s17, $0x38;
	[tilespmem:$0x1B400] =	vst v63  }
.Ltmp5:
0xab: {  	(pc) =	sbr.rel .LBB2_9-.Ltmp5, $4  }
0xac: {  	_ = 	snop  }
0xad: {  	_ =	swait.ge [sflag:s16], $0x8000  }
0xae: {  	[sflag:s16] =	ssyncset.done $0x0  }
0xaf: {  	[sflag:s16] =	ssyncadd.s32 $0xFFFF8000  }
.LBB2_7:
0xb0: {  	s0 =	sadd.s32 $0x2, s24  }
0xb1: {  	s1 =	sshll.u32 s0, $0x8;
	s0 =	sshll.u32 s0, $0x6  }
0xb2: {  	s1 =	sand.u32 $0xF000, s1;
	s0 =	sand.u32 $0x380, s0  }
0xb3: {  	s31 =	sor.u32 s0, s1  }
0xb4: {  	v1 =	vld [tilespmem:s31+$0x0];
	_ =	sdelay $0x4  }
0xb5: {  	v2 =	vshra.s32 v1, $0x2;
	v1 =	vshll.u32 v1, $0x5  }
0xb6: {  	[tilespmem:$0x7000] =	vst v2;
	v1 =	vand.u32 $0x60, v1  }
0xb7: {  	[tilespmem:$0x7200] =	vst v1  }
0xb8: {  	v1 =	vld [tilespmem:s31+$0x10];
	_ =	sdelay $0x4  }
0xb9: {  	v2 =	vshra.s32 v1, $0x2;
	v1 =	vshll.u32 v1, $0x5  }
0xba: {  	[tilespmem:$0x7010] =	vst v2;
	v1 =	vand.u32 $0x60, v1  }
0xbb: {  	[tilespmem:$0x7210] =	vst v1  }
0xbc: {  	v1 =	vld [tilespmem:s31+$0x20];
	_ =	sdelay $0x4  }
0xbd: {  	v2 =	vshra.s32 v1, $0x2;
	v1 =	vshll.u32 v1, $0x5  }
0xbe: {  	[tilespmem:$0x7020] =	vst v2;
	v1 =	vand.u32 $0x60, v1  }
0xbf: {  	[tilespmem:$0x7220] =	vst v1  }
0xc0: {  	v1 =	vld [tilespmem:s31+$0x30];
	_ =	sdelay $0x4  }
0xc1: {  	v2 =	vshra.s32 v1, $0x2;
	v1 =	vshll.u32 v1, $0x5  }
0xc2: {  	[tilespmem:$0x7030] =	vst v2;
	v1 =	vand.u32 $0x60, v1  }
0xc3: {  	[tilespmem:$0x7230] =	vst v1  }
0xc4: {  	v1 =	vld [tilespmem:s31+$0x40];
	_ =	sdelay $0x4  }
0xc5: {  	v2 =	vshra.s32 v1, $0x2;
	v1 =	vshll.u32 v1, $0x5  }
0xc6: {  	[tilespmem:$0x7040] =	vst v2;
	v1 =	vand.u32 $0x60, v1  }
0xc7: {  	[tilespmem:$0x7240] =	vst v1  }
0xc8: {  	v1 =	vld [tilespmem:s31+$0x50];
	_ =	sdelay $0x4  }
0xc9: {  	v2 =	vshra.s32 v1, $0x2;
	v1 =	vshll.u32 v1, $0x5  }
0xca: {  	[tilespmem:$0x7050] =	vst v2;
	v1 =	vand.u32 $0x60, v1  }
0xcb: {  	[tilespmem:$0x7250] =	vst v1  }
0xcc: {  	v1 =	vld [tilespmem:s31+$0x60];
	_ =	sdelay $0x4  }
0xcd: {  	v2 =	vshra.s32 v1, $0x2;
	v1 =	vshll.u32 v1, $0x5  }
0xce: {  	[tilespmem:$0x7060] =	vst v2;
	v1 =	vand.u32 $0x60, v1  }
0xcf: {  	[tilespmem:$0x7260] =	vst v1  }
0xd0: {  	v1 =	vld [tilespmem:s31+$0x70];
	_ =	sdelay $0x4  }
0xd1: {  	v2 =	vshra.s32 v1, $0x2;
	v1 =	vshll.u32 v1, $0x5  }
0xd2: {  	[tilespmem:$0x7070] =	vst v2;
	v1 =	vand.u32 $0x60, v1  }
0xd3: {  	[tilespmem:$0x7270] =	vst v1  }
0xd4: {  	v1 =	vld [tilespmem:s31+$0x400];
	_ =	sdelay $0x4  }
0xd5: {  	v2 =	vshra.s32 v1, $0x2;
	v1 =	vshll.u32 v1, $0x5  }
0xd6: {  	[tilespmem:$0x7080] =	vst v2;
	v1 =	vand.u32 $0x60, v1  }
0xd7: {  	[tilespmem:$0x7280] =	vst v1  }
0xd8: {  	v1 =	vld [tilespmem:s31+$0x410];
	_ =	sdelay $0x4  }
0xd9: {  	v2 =	vshra.s32 v1, $0x2;
	v1 =	vshll.u32 v1, $0x5  }
0xda: {  	[tilespmem:$0x7090] =	vst v2;
	v1 =	vand.u32 $0x60, v1  }
0xdb: {  	[tilespmem:$0x7290] =	vst v1  }
0xdc: {  	v1 =	vld [tilespmem:s31+$0x420];
	_ =	sdelay $0x4  }
0xdd: {  	v2 =	vshra.s32 v1, $0x2;
	v1 =	vshll.u32 v1, $0x5  }
0xde: {  	[tilespmem:$0x70A0] =	vst v2;
	v1 =	vand.u32 $0x60, v1  }
0xdf: {  	[tilespmem:$0x72A0] =	vst v1  }
0xe0: {  	v1 =	vld [tilespmem:s31+$0x430];
	_ =	sdelay $0x4  }
0xe1: {  	v2 =	vshra.s32 v1, $0x2;
	v1 =	vshll.u32 v1, $0x5  }
0xe2: {  	[tilespmem:$0x70B0] =	vst v2;
	v1 =	vand.u32 $0x60, v1  }
0xe3: {  	[tilespmem:$0x72B0] =	vst v1  }
0xe4: {  	v1 =	vld [tilespmem:s31+$0x440];
	_ =	sdelay $0x4  }
0xe5: {  	v2 =	vshra.s32 v1, $0x2;
	v1 =	vshll.u32 v1, $0x5  }
0xe6: {  	[tilespmem:$0x70C0] =	vst v2;
	v1 =	vand.u32 $0x60, v1  }
0xe7: {  	[tilespmem:$0x72C0] =	vst v1  }
0xe8: {  	v1 =	vld [tilespmem:s31+$0x450];
	_ =	sdelay $0x4  }
0xe9: {  	v2 =	vshra.s32 v1, $0x2;
	v1 =	vshll.u32 v1, $0x5  }
0xea: {  	[tilespmem:$0x70D0] =	vst v2;
	v1 =	vand.u32 $0x60, v1  }
0xeb: {  	[tilespmem:$0x72D0] =	vst v1  }
0xec: {  	v1 =	vld [tilespmem:s31+$0x460];
	_ =	sdelay $0x4  }
0xed: {  	v2 =	vshra.s32 v1, $0x2;
	v1 =	vshll.u32 v1, $0x5  }
0xee: {  	[tilespmem:$0x70E0] =	vst v2;
	v1 =	vand.u32 $0x60, v1  }
0xef: {  	[tilespmem:$0x72E0] =	vst v1  }
0xf0: {  	v1 =	vld [tilespmem:s31+$0x470];
	_ =	sdelay $0x4  }
0xf1: {  	v2 =	vshra.s32 v1, $0x2;
	v1 =	vshll.u32 v1, $0x5  }
0xf2: {  	[tilespmem:$0x70F0] =	vst v2;
	v1 =	vand.u32 $0x60, v1  }
.Ltmp6:
0xf3: {  	[tilespmem:$0x72F0] =	vst v1;
	(pc) =	sbr.rel @p1 .LBB2_10-.Ltmp6, $4  }
0xf4: {  	[tilespmem:s13], [sflag:$0x1] =	stream.indirect.gather [hbm4b:s3+s11], $0x80, s12, s11, $0xb8;
	[tilespmem:$0x1B400] =	vst v63  }
0xf5: {  	_ =	swait.ge [sflag:s16], $0x8000  }
0xf6: {  	[sflag:s16] =	ssyncset.done $0x0  }
0xf7: {  	[sflag:s16] =	ssyncadd.s32 $0xFFFF8000  }
.LBB2_9:
0xf8: {  	_ =	swait.ge [sflag:s19], $0x2000  }
0xf9: {  	[sflag:s19] =	ssyncset.done $0x0  }
0xfa: {  	[sflag:s19] =	ssyncadd.s32 $0xFFFFE000  }
.LBB2_10:
0xfb: {  	s24 =	simm.s32 $0x0  }
0xfc: {  	s25 =	simm.s32 $0x0;
	s26 =	simm.s32 $0x0;
	s28 =	simm.s32 $0x0  }
.LBB2_11:
0xfd: {  	s0 =	sshll.u32 s28, $0x4  }
0xfe: {  	v2 =	vld [tilespmem:s0+$0x7300];
	_ =	sdelay $0x1  }
0xff: {  	v1 =	vmov s0  }
0x100: {  	v1 =	vshll.u32 v1, $0x7  }
0x101: {  	s1 =	simm.s32 $0x2;
	s0 =	simm.s32 $0x1;
	v1 =	vor.u32 v0, v1  }
0x102: {  	s29 =	simm.s32 $0x3;
	v3 =	vadd.s32 s24, v2;
	v4 =	vadd.s32 s0, v2;
	s0 =	simm.s32 $0x4;
	v5 =	vadd.s32 s1, v2  }
0x103: {  	v6 =	vadd.s32 s29, v2;
	s1 =	simm.s32 $0x5;
	v7 =	vadd.s32 s0, v2;
	v8 =	vand.u32 $0x7F, v4  }
0x104: {  	v9 =	vadd.s32 s1, v2;
	v11 =	vand.u32 $0x7F, v5;
	v13 =	vand.u32 $0x7F, v6  }
0x105: {  	s0 =	simm.s32 $0x6;
	s1 =	simm.s32 $0x7;
	v4 =	vand.u32 $0xFFFFFF80, v4;
	v5 =	vand.u32 $0xFFFFFF80, v5;
	v6 =	vand.u32 $0xFFFFFF80, v6  }
0x106: {  	v10 =	vadd.s32 s0, v2;
	v12 =	vadd.s32 s1, v2;
	v14 =	vand.u32 $0x7F, v7  }
0x107: {  	v4 =	vadd.s32 v1, v4;
	v5 =	vadd.s32 v1, v5;
	v15 =	vand.u32 $0xFFFFFF80, v12  }
0x108: {  	v12 =	vand.u32 $0x7F, v12;
	v4 =	vor.u32 v8, v4;
	v15 =	vadd.s32 v1, v15  }
0x109: {  	v8 =	vor.u32 v11, v5;
	v5 =	vadd.s32 v1, v6;
	v12 =	vor.u32 v12, v15  }
0x10a: {  	v6 =	vand.u32 $0xFFFFFF80, v7;
	v7 =	vand.u32 $0x7F, v9;
	v11 =	vor.u32 v13, v5  }
0x10b: {  	v5 =	vadd.s32 v1, v6;
	v6 =	vand.u32 $0xFFFFFF80, v9;
	v9 =	vand.u32 $0xFFFFFF80, v3  }
0x10c: {  	s0 =	sshll.u32 s26, $0x2;
	s1 =	sand.u32 $0x7, s25;
	v13 =	vor.u32 v14, v5;
	v5 =	vadd.s32 v1, v6;
	v6 =	vand.u32 $0xFFFFFF80, v10  }
0x10d: {  	s0 =	sand.u32 $0xFFFFF000, s0;
	s1 =	sshll.u32 s1, $0x6;
	v20 =	vor.u32 v7, v5;
	v7 =	vand.u32 $0x7F, v10;
	v10 =	vadd.s32 v1, v6;
	v6 =	vld.idx.msk [tilespmem:v4+s15+$0x0], $0xffff  }
0x10e: {  	s0 =	sor.u32 s1, s0;
	s1 =	simm.s32 $0x9;
	v14 =	vand.u32 $0x7F, v3;
	v4 =	vadd.s32 v1, v9;
	v5 =	vld.idx.msk [tilespmem:v12+s15+$0x0], $0xffff;
	v12 =	vor.u32 v7, v10  }
0x10f: {  	s29 =	simm.s32 $0x8;
	v17 =	vadd.s32 s1, v2;
	s1 =	simm.s32 $0xA;
	v9 =	vld.idx.msk [tilespmem:v11+s15+$0x0], $0xffff;
	v10 =	vor.u32 v14, v4  }
0x110: {  	s30 =	simm.s32 $0xC;
	v3 =	vadd.s32 s29, v2;
	s29 =	simm.s32 $0xB;
	v18 =	vadd.s32 s1, v2;
	v7 =	vld.idx.msk [tilespmem:v8+s15+$0x0], $0xffff  }
0x111: {  	s0 =	sshrl.u32 s0, $0x2;
	v16 =	vadd.s32 s29, v2;
	s1 =	simm.s32 $0xD;
	v19 =	vand.u32 $0x7F, v17;
	v14 =	vadd.s32 s30, v2;
	s30 =	simm.s32 $0xE;
	v11 =	vld.idx.msk [tilespmem:v13+s15+$0x0], $0xffff  }
0x112: {  	s31 =	simm.s32 $0xF;
	s29 =	sadd.s32 $0x19600, s0;
	v15 =	vadd.s32 s1, v2;
	v4 =	vand.u32 $0xFFFFFF80, v3;
	v8 =	vadd.s32 s30, v2;
	s30 =	simm.s32 $0x10;
	v13 =	vld.idx.msk [tilespmem:v20+s15+$0x0], $0xffff  }
.LBB2_12:
0x113: {  	p1 =	slt.u32 s30, $0x18;
	v20 =	vand.u32 $0x7F, v18;
	v21 =	vand.u32 $0x7F, v16;
	v22 =	vadd.s32 s31, v2;
	v12 =	vld.idx.msk [tilespmem:v12+s15+$0x0], $0xffff;
	[tilespmem:s29+$0x180] =	vst v5  }
0x114: {  	v5 =	vand.u32 $0x7F, v14;
	v23 =	vand.u32 $0x7F, v15;
	v24 =	vand.u32 $0xFFFFFF80, v22;
	v10 =	vld.idx.msk [tilespmem:v10+s15+$0x0], $0xffff;
	[tilespmem:s29+$0xFFFFFE80] =	vst v6  }
0x115: {  	v6 =	vand.u32 $0xFFFFFF80, v17;
	v17 =	vand.u32 $0x7F, v22;
	v22 =	vadd.s32 v1, v24;
	[tilespmem:s29+$0xFFFFFF00] =	vst v7  }
0x116: {  	v6 =	vadd.s32 v1, v6;
	v7 =	vand.u32 $0xFFFFFF80, v18;
	v17 =	vor.u32 v17, v22;
	[tilespmem:s29+$0xFFFFFF80] =	vst v9  }
0x117: {  	v6 =	vor.u32 v19, v6;
	v7 =	vadd.s32 v1, v7;
	v9 =	vand.u32 $0xFFFFFF80, v16;
	[tilespmem:s29+$0x0] =	vst v11  }
0x118: {  	v7 =	vor.u32 v20, v7;
	v9 =	vadd.s32 v1, v9;
	v11 =	vand.u32 $0xFFFFFF80, v14;
	[tilespmem:s29+$0x80] =	vst v13  }
0x119: {  	v9 =	vor.u32 v21, v9;
	v11 =	vadd.s32 v1, v11;
	v13 =	vand.u32 $0xFFFFFF80, v15;
	[tilespmem:s29+$0x100] =	vst v12  }
0x11a: {  	v11 =	vor.u32 v5, v11;
	v5 =	vadd.s32 v1, v13;
	v12 =	vand.u32 $0xFFFFFF80, v8;
	[tilespmem:s29+$0xFFFFFE00] =	vst v10  }
0x11b: {  	v8 =	vand.u32 $0x7F, v8;
	v13 =	vor.u32 v23, v5;
	v10 =	vadd.s32 v1, v12;
	v5 =	vld.idx.msk [tilespmem:v17+s15+$0x0], $0xffff  }
.Ltmp7:
0x11c: {  	v4 =	vadd.s32 v1, v4;
	v14 =	vand.u32 $0x7F, v3;
	v12 =	vor.u32 v8, v10;
	v6 =	vld.idx.msk [tilespmem:v6+s15+$0x0], $0xffff;
	(pc) =	sbr.rel @p1 .LBB2_12-.Ltmp7, $4  }
0x11d: {  	s0 =	sadd.s32 $0x1, s30;
	v3 =	vadd.s32 s30, v2;
	v10 =	vor.u32 v14, v4;
	v7 =	vld.idx.msk [tilespmem:v7+s15+$0x0], $0xffff  }
0x11e: {  	s1 =	sadd.s32 $0x3, s30;
	s31 =	sadd.s32 $0x4, s30;
	v4 =	vand.u32 $0xFFFFFF80, v3;
	v17 =	vadd.s32 s0, v2;
	s0 =	sadd.s32 $0x2, s30;
	v9 =	vld.idx.msk [tilespmem:v9+s15+$0x0], $0xffff  }
0x11f: {  	v16 =	vadd.s32 s1, v2;
	s1 =	sadd.s32 $0x6, s30;
	v14 =	vadd.s32 s31, v2;
	v18 =	vadd.s32 s0, v2;
	s0 =	sadd.s32 $0x5, s30;
	v11 =	vld.idx.msk [tilespmem:v11+s15+$0x0], $0xffff  }
0x120: {  	s29 =	sadd.s32 $0x800, s29;
	v8 =	vadd.s32 s1, v2;
	s31 =	sadd.s32 $0x7, s30;
	v19 =	vand.u32 $0x7F, v17;
	s30 =	sadd.s32 $0x8, s30;
	v15 =	vadd.s32 s0, v2;
	v13 =	vld.idx.msk [tilespmem:v13+s15+$0x0], $0xffff  }
0x121: {  	v2 =	vadd.s32 s31, v2  }
0x122: {  	v20 =	vand.u32 $0x7F, v18;
	v22 =	vand.u32 $0x7F, v16;
	v23 =	vand.u32 $0x7F, v14  }
0x123: {  	v17 =	vand.u32 $0xFFFFFF80, v17;
	v47 =	vand.u32 $0x7F, v15;
	v48 =	vand.u32 $0xFFFFFF80, v18  }
0x124: {  	v49 =	vand.u32 $0xFFFFFF80, v16;
	v51 =	vand.u32 $0xFFFFFF80, v14;
	v17 =	vadd.s32 v1, v17  }
0x125: {  	v21 =	vand.u32 $0xFFFFFF80, v2;
	v18 =	vadd.s32 v1, v48;
	v17 =	vor.u32 v19, v17  }
0x126: {  	v2 =	vand.u32 $0x7F, v2;
	v21 =	vadd.s32 v1, v21;
	v50 =	vor.u32 v20, v18  }
0x127: {  	[tilespmem:s29+$0x180] =	vst v5;
	v12 =	vld.idx.msk [tilespmem:v12+s15+$0x0], $0xffff;
	v53 =	vand.u32 $0xFFFFFF80, v15;
	v16 =	vadd.s32 v1, v49;
	v2 =	vor.u32 v2, v21  }
0x128: {  	[tilespmem:s29+$0xFFFFFE80] =	vst v6;
	v10 =	vld.idx.msk [tilespmem:v10+s15+$0x0], $0xffff;
	v56 =	vand.u32 $0xFFFFFF80, v8;
	v14 =	vadd.s32 v1, v51;
	v52 =	vor.u32 v22, v16  }
0x129: {  	[tilespmem:s29+$0xFFFFFF00] =	vst v7;
	v55 =	vadd.s32 v1, v53;
	v59 =	vadd.s32 v1, v56;
	v54 =	vor.u32 v23, v14  }
0x12a: {  	v3 =	vand.u32 $0x7F, v3;
	[tilespmem:s29+$0xFFFFFF80] =	vst v9;
	v57 =	vor.u32 v47, v55;
	v1 =	vadd.s32 v1, v4;
	v60 =	vld.idx.msk [tilespmem:v17+s15+$0x0], $0xffff  }
0x12b: {  	v58 =	vand.u32 $0x7F, v8;
	[tilespmem:s29+$0x0] =	vst v11;
	v1 =	vor.u32 v3, v1;
	v3 =	vld.idx.msk [tilespmem:v50+s15+$0x0], $0xffff  }
0x12c: {  	v8 =	vor.u32 v58, v59;
	[tilespmem:s29+$0x80] =	vst v13;
	v2 =	vld.idx.msk [tilespmem:v2+s15+$0x0], $0xffff  }
0x12d: {  	[tilespmem:s29+$0x100] =	vst v12;
	v61 =	vld.idx.msk [tilespmem:v52+s15+$0x0], $0xffff  }
0x12e: {  	s0 =	sadd.s32 $0x800, s29;
	[tilespmem:s29+$0xFFFFFE00] =	vst v10;
	v62 =	vld.idx.msk [tilespmem:v54+s15+$0x0], $0xffff  }
0x12f: {  	v63 =	vld.idx.msk [tilespmem:v57+s15+$0x0], $0xffff;
	[tilespmem:s0+$0xFFFFFE80] =	vst v60  }
0x130: {  	s28 =	sadd.s32 $0x1, s28;
	v1 =	vld.idx.msk [tilespmem:v1+s15+$0x0], $0xffff;
	[tilespmem:s0+$0xFFFFFF00] =	vst v3  }
0x131: {  	p1 =	sne.s32 s28, $0x10;
	[tilespmem:s0+$0x180] =	vst v2;
	v2 =	vld.idx.msk [tilespmem:v8+s15+$0x0], $0xffff  }
.Ltmp8:
0x132: {  	[tilespmem:s0+$0xFFFFFF80] =	vst v61;
	(pc) =	sbr.rel @p1 .LBB2_11-.Ltmp8, $4  }
0x133: {  	[tilespmem:s0+$0x0] =	vst v62  }
0x134: {  	[tilespmem:s0+$0x80] =	vst v63  }
0x135: {  	[tilespmem:s0+$0xFFFFFE00] =	vst v1  }
0x136: {  	s26 =	sadd.s32 $0x80, s26;
	s25 =	sadd.s32 $0x1, s25;
	[tilespmem:s0+$0x100] =	vst v2  }
.Ltmp9:
0x137: {  	(pc) =	sbr.rel @p0 .LBB2_16-.Ltmp9, $3  }
0x138: {  	_ =	sdelay $0x1  }
0x139: {  	s0 =	sadd.s32 s23, s6  }
0x13a: {  	[hbm4b:s0+s17] =	stream.strided.scatter [tilespmem:s20], [sflag:$0x2], $0x2000, s9, s17, $0x38;
	[tilespmem:$0x1B400] =	vst v63  }
0x13b: {  	s22 =	sadd.s32 $0x1, s22  }
0x13c: {  	s0 =	sshll.u32 s22, $0x9;
	s1 =	sshll.u32 s22, $0x7  }
0x13d: {  	s0 =	sand.u32 $0xF000, s0;
	s1 =	sand.u32 $0x380, s1  }
0x13e: {  	s23 =	sor.u32 s1, s0  }
0x13f: {  	v1 =	vld [tilespmem:s23+$0x800];
	_ =	sdelay $0x4  }
0x140: {  	v2 =	vshra.s32 v1, $0x2;
	v1 =	vshll.u32 v1, $0x5  }
0x141: {  	[tilespmem:$0x7100] =	vst v2;
	v1 =	vand.u32 $0x60, v1  }
0x142: {  	[tilespmem:$0x7300] =	vst v1  }
0x143: {  	v1 =	vld [tilespmem:s23+$0x810];
	_ =	sdelay $0x4  }
0x144: {  	v2 =	vshra.s32 v1, $0x2;
	v1 =	vshll.u32 v1, $0x5  }
0x145: {  	[tilespmem:$0x7110] =	vst v2;
	v1 =	vand.u32 $0x60, v1  }
0x146: {  	[tilespmem:$0x7310] =	vst v1  }
0x147: {  	v1 =	vld [tilespmem:s23+$0x820];
	_ =	sdelay $0x4  }
0x148: {  	v2 =	vshra.s32 v1, $0x2;
	v1 =	vshll.u32 v1, $0x5  }
0x149: {  	[tilespmem:$0x7120] =	vst v2;
	v1 =	vand.u32 $0x60, v1  }
0x14a: {  	[tilespmem:$0x7320] =	vst v1  }
0x14b: {  	v1 =	vld [tilespmem:s23+$0x830];
	_ =	sdelay $0x4  }
0x14c: {  	v2 =	vshra.s32 v1, $0x2;
	v1 =	vshll.u32 v1, $0x5  }
0x14d: {  	[tilespmem:$0x7130] =	vst v2;
	v1 =	vand.u32 $0x60, v1  }
0x14e: {  	[tilespmem:$0x7330] =	vst v1  }
0x14f: {  	v1 =	vld [tilespmem:s23+$0x840];
	_ =	sdelay $0x4  }
0x150: {  	v2 =	vshra.s32 v1, $0x2;
	v1 =	vshll.u32 v1, $0x5  }
0x151: {  	[tilespmem:$0x7140] =	vst v2;
	v1 =	vand.u32 $0x60, v1  }
0x152: {  	[tilespmem:$0x7340] =	vst v1  }
0x153: {  	v1 =	vld [tilespmem:s23+$0x850];
	_ =	sdelay $0x4  }
0x154: {  	v2 =	vshra.s32 v1, $0x2;
	v1 =	vshll.u32 v1, $0x5  }
0x155: {  	[tilespmem:$0x7150] =	vst v2;
	v1 =	vand.u32 $0x60, v1  }
0x156: {  	[tilespmem:$0x7350] =	vst v1  }
0x157: {  	v1 =	vld [tilespmem:s23+$0x860];
	_ =	sdelay $0x4  }
0x158: {  	v2 =	vshra.s32 v1, $0x2;
	v1 =	vshll.u32 v1, $0x5  }
0x159: {  	[tilespmem:$0x7160] =	vst v2;
	v1 =	vand.u32 $0x60, v1  }
0x15a: {  	[tilespmem:$0x7360] =	vst v1  }
0x15b: {  	v1 =	vld [tilespmem:s23+$0x870];
	_ =	sdelay $0x4  }
0x15c: {  	v2 =	vshra.s32 v1, $0x2;
	v1 =	vshll.u32 v1, $0x5  }
0x15d: {  	[tilespmem:$0x7170] =	vst v2;
	v1 =	vand.u32 $0x60, v1  }
0x15e: {  	[tilespmem:$0x7370] =	vst v1  }
0x15f: {  	v1 =	vld [tilespmem:s23+$0xC00];
	_ =	sdelay $0x4  }
0x160: {  	v2 =	vshra.s32 v1, $0x2;
	v1 =	vshll.u32 v1, $0x5  }
0x161: {  	[tilespmem:$0x7180] =	vst v2;
	v1 =	vand.u32 $0x60, v1  }
0x162: {  	[tilespmem:$0x7380] =	vst v1  }
0x163: {  	v1 =	vld [tilespmem:s23+$0xC10];
	_ =	sdelay $0x4  }
0x164: {  	v2 =	vshra.s32 v1, $0x2;
	v1 =	vshll.u32 v1, $0x5  }
0x165: {  	[tilespmem:$0x7190] =	vst v2;
	v1 =	vand.u32 $0x60, v1  }
0x166: {  	[tilespmem:$0x7390] =	vst v1  }
0x167: {  	v1 =	vld [tilespmem:s23+$0xC20];
	_ =	sdelay $0x4  }
0x168: {  	v2 =	vshra.s32 v1, $0x2;
	v1 =	vshll.u32 v1, $0x5  }
0x169: {  	[tilespmem:$0x71A0] =	vst v2;
	v1 =	vand.u32 $0x60, v1  }
0x16a: {  	[tilespmem:$0x73A0] =	vst v1  }
0x16b: {  	v1 =	vld [tilespmem:s23+$0xC30];
	_ =	sdelay $0x4  }
0x16c: {  	v2 =	vshra.s32 v1, $0x2;
	v1 =	vshll.u32 v1, $0x5  }
0x16d: {  	[tilespmem:$0x71B0] =	vst v2;
	v1 =	vand.u32 $0x60, v1  }
0x16e: {  	[tilespmem:$0x73B0] =	vst v1  }
0x16f: {  	v1 =	vld [tilespmem:s23+$0xC40];
	_ =	sdelay $0x4  }
0x170: {  	v2 =	vshra.s32 v1, $0x2;
	v1 =	vshll.u32 v1, $0x5  }
0x171: {  	[tilespmem:$0x71C0] =	vst v2;
	v1 =	vand.u32 $0x60, v1  }
0x172: {  	[tilespmem:$0x73C0] =	vst v1  }
0x173: {  	v1 =	vld [tilespmem:s23+$0xC50];
	_ =	sdelay $0x4  }
0x174: {  	v2 =	vshra.s32 v1, $0x2;
	v1 =	vshll.u32 v1, $0x5  }
0x175: {  	[tilespmem:$0x71D0] =	vst v2;
	v1 =	vand.u32 $0x60, v1  }
0x176: {  	[tilespmem:$0x73D0] =	vst v1  }
0x177: {  	v1 =	vld [tilespmem:s23+$0xC60];
	_ =	sdelay $0x2  }
.Ltmp10:
0x178: {  	_ = 	snop;
	(pc) =	sbr.rel .LBB2_2-.Ltmp10, $4  }
0x179: {  	_ = 	snop  }
0x17a: {  	v2 =	vshra.s32 v1, $0x2;
	v1 =	vshll.u32 v1, $0x5  }
0x17b: {  	[tilespmem:$0x71E0] =	vst v2;
	v1 =	vand.u32 $0x60, v1  }
0x17c: {  	s23 =	sor.u32 $0xC70, s23;
	[tilespmem:$0x73E0] =	vst v1  }
.LBB2_17:
0x17d: {  	_ =	sfence.sel $0x180000  }
0x17e: {  	[bflag:$0x0] =	sbarrier.arrive $0xFFFF  }
0x17f: {  	_ =	strace $0x90000047  }
0x180: {  	s0 =	stileid.u32;
	[bflag:$0x2] =	sbarrier.arrive $0xFFFF  }
0x181: {  	p0 =	sne.s32 s0, $0x0;
	s0 =	rddreg [dreg:$0x3]  }
0x182: {  	s0 =	sadd.s32 @!p0 $0x100000, s0  }
0x183: {  	[sflag:s0] =	ssyncadd.tile.s32 @!p0 $0x1;
	_ =	shalt  }
.Lfunc_end2:
_tile_overlayer_lowered:
.L_overlay_start_2:
0x184: {  	(tag) =	ssettag $0x2  }
0x185: {  	s0 =	rddreg [dreg:$0x0];
	s2 =	stileid.u32  }
0x186: {  	s1 =	rddreg [dreg:$0x1];
	p0 =	sne.s32 s2, $0x0  }
0x187: {  	s3 =	rddreg [dreg:$0x2];
	[bflag:$0x3] =	sbarrier.arrive $0xFFFF;
	s2 =	simm.s32 @!p0 $0x1C03  }
0x188: {  	[timem:s3], [sflag:s2] =	dma.local @!p0 [hbm:s0], s1  }
0x189: {  	s0 =	simm.s32 @!p0 $0x3  }
0x18a: {  	_ =	swait.ge @!p0 [sflag:s0], s1  }
0x18b: {  	s1 =	ssub.s32 @!p0 $0x0, s1;
	[sflag:s0] =	ssyncset.done @!p0 $0x0  }
0x18c: {  	[sflag:s0] =	ssyncadd.s32 @!p0 s1  }
0x18d: {  	[bflag:$0x3] =	sbarrier.arrive $0xFFFF  }
0x18e: {  	_ =	shalt  }

</sc_bundles>
